<compile_context>
chip_gen: v7x
topology: tpu7x:2x2x1
jax: 0.10.2.dev20260603
libtpu: 0.0.44.dev20260713+nightly
codegen_flags: <defaults>
</compile_context>

<pallas_src>
import functools

import jax
import jax.numpy as jnp
from jax import lax
from jax.experimental import pallas as pl
from jax.experimental.pallas import tpu as pltpu
from jax.experimental.pallas import tpu_sc as plsc

_NUM_CLASSES = 1000
_HIDDEN = 128
_BATCH = 16384
_ROWS = _NUM_CLASSES + 1

_INFO = plsc.get_sparse_core_info()
_NC = _INFO.num_cores
_NS = _INFO.num_subcores
_L = _INFO.num_lanes
_NW = _NC * _NS
_B_PER_W = _BATCH // _NW
_CHUNK = 64
_NCHUNK = _B_PER_W // _CHUNK
_STAGE = 64

_mesh = plsc.VectorSubcoreMesh(core_axis_name="c", subcore_axis_name="s")


@functools.partial(
    pl.kernel,
    mesh=_mesh,
    out_type=jax.ShapeDtypeStruct((_BATCH, _HIDDEN), jnp.float32),
    scratch_types=[
        pltpu.VMEM_SHARED((_ROWS, _HIDDEN), jnp.float32),
        pltpu.VMEM((_B_PER_W,), jnp.int32),
        pltpu.VMEM((_B_PER_W,), jnp.int32),
        pltpu.VMEM((_B_PER_W,), jnp.int32),
        pltpu.VMEM((_B_PER_W, _HIDDEN), jnp.float32),
        pltpu.SemaphoreType.DMA,
        pltpu.SemaphoreType.DMA((_NCHUNK,)),
        pltpu.SemaphoreType.DMA,
    ],
)
def _embed(
    labels_hbm,
    drop_hbm,
    table_hbm,
    out_hbm,
    table_sp,
    lab_v,
    drop_v,
    idx_v,
    rows_v,
    sem_t,
    sem_g,
    sem_w,
):
    sid = lax.axis_index("s")
    wid = sid * _NC + lax.axis_index("c")
    base = wid * _B_PER_W
    @pl.when(sid < _NS - 1)
    def _stage_body():
        start = pl.multiple_of(sid * _STAGE, 8)
        pltpu.async_copy(
            table_hbm.at[pl.ds(start, _STAGE)], table_sp.at[pl.ds(start, _STAGE)], sem_t
        )

    tail = (_NS - 1) * _STAGE

    @pl.when(sid == _NS - 1)
    def _stage_tail():
        pltpu.async_copy(
            table_hbm.at[pl.ds(tail, _ROWS - tail)],
            table_sp.at[pl.ds(tail, _ROWS - tail)],
            sem_t,
        )

    pltpu.sync_copy(labels_hbm.at[pl.ds(base, _B_PER_W)], lab_v)
    pltpu.sync_copy(drop_hbm.at[pl.ds(base, _B_PER_W)], drop_v)

    def _adjust(i, carry):
        sl = pl.ds(pl.multiple_of(i * _L, _L), _L)
        idx_v[sl] = jnp.where(drop_v[sl] == 1, _NUM_CLASSES, lab_v[sl])
        return carry

    lax.fori_loop(0, _B_PER_W // _L, _adjust, 0)

    @pl.when(sid < _NS - 1)
    def _wait_body():
        start = pl.multiple_of(sid * _STAGE, 8)
        pltpu.make_async_copy(
            table_hbm.at[pl.ds(start, _STAGE)], table_sp.at[pl.ds(start, _STAGE)], sem_t
        ).wait()

    @pl.when(sid == _NS - 1)
    def _wait_tail():
        pltpu.make_async_copy(
            table_hbm.at[pl.ds(tail, _ROWS - tail)],
            table_sp.at[pl.ds(tail, _ROWS - tail)],
            sem_t,
        ).wait()

    plsc.subcore_barrier()

    gathers = []
    for j in range(_NCHUNK):
        gathers.append(
            pltpu.async_copy(
                table_sp.at[idx_v.at[pl.ds(j * _CHUNK, _CHUNK)]],
                rows_v.at[pl.ds(j * _CHUNK, _CHUNK)],
                sem_g.at[j],
            )
        )
    writebacks = []
    for j in range(_NCHUNK):
        gathers[j].wait()
        writebacks.append(
            pltpu.async_copy(
                rows_v.at[pl.ds(j * _CHUNK, _CHUNK)],
                out_hbm.at[pl.ds(base + j * _CHUNK, _CHUNK)],
                sem_w,
            )
        )
    for wb in writebacks:
        wb.wait()


def kernel(labels, train, force_drop_ids, embedding_table):
    del train
    return _embed(labels, force_drop_ids, embedding_table)

# --- scband reference (transcript-rebuilt; emitter-appended) ---
"""Pipeline reference for scband-label-embedder-51075751084657 (READ-ONLY COPY).

The authoritative reference and input builder live on the scoring server;
editing this copy changes nothing except your own understanding.
"""

import jax, jax.numpy as jnp
import numpy as np

NUM_CLASSES = 1000
HIDDEN_SIZE = 128
BATCH = 16384


def setup_inputs(seed: int = 0) -> dict:
    key = jax.random.key(seed)
    k1, k2, k3 = jax.random.split(key, 3)
    labels = jax.random.randint(k1, (BATCH,), 0, NUM_CLASSES, dtype=jnp.int32)
    # force_drop_ids in {0,1}: 1 means drop -> replaced by num_classes (CFG row)
    force_drop_ids = jax.random.randint(k2, (BATCH,), 0, 2, dtype=jnp.int32)
    # embedding table has num_classes + 1 rows because dropout_prob > 0
    embedding_table = jax.random.normal(k3, (NUM_CLASSES + 1, HIDDEN_SIZE), dtype=jnp.float32)
    return {
        "labels": labels,
        "train": 0,
        "force_drop_ids": force_drop_ids,
        "embedding_table": embedding_table,
    }


def reference(labels, train, force_drop_ids, embedding_table):
    # forward of LabelEmbedder: force_drop_ids is not None, so token_drop applies
    # deterministically regardless of train flag.
    dropout_prob = 0.1
    use_dropout = dropout_prob > 0
    apply_drop = jnp.logical_or(
        jnp.logical_and(train != 0, use_dropout), force_drop_ids is not None
    )
    drop_ids = force_drop_ids == 1
    labels = jnp.where(jnp.logical_and(apply_drop, drop_ids), NUM_CLASSES, labels)
    return jnp.take(embedding_table, labels, axis=0)

if __name__ == "__main__":
    import jax
    _d = setup_inputs()
    print(jax.jit(kernel)(*tuple(_d.values())))

</pallas_src>

<mosaic_0001>
#map = affine_map<(d0, d1) -> (0)>
#map1 = affine_map<(d0, d1) -> (0, 0)>
module attributes {stable_mosaic.version = 14 : i64} {
  func.func @_embed(%arg0: i32, %arg1: i32, %arg2: memref<16384xi32, #tpu.memory_space<hbm>>, %arg3: memref<16384xi32, #tpu.memory_space<hbm>>, %arg4: memref<1001x128xf32, #tpu.memory_space<hbm>>, %arg5: memref<16384x128xf32, #tpu.memory_space<hbm>>, %arg6: memref<1001x128xf32, #tpu.memory_space<vmem_shared>>, %arg7: memref<512xi32, #tpu.memory_space<vmem>>, %arg8: memref<512xi32, #tpu.memory_space<vmem>>, %arg9: memref<512xi32, #tpu.memory_space<vmem>>, %arg10: memref<512x128xf32, #tpu.memory_space<vmem>>, %arg11: memref<!tpu.dma_semaphore, #tpu.memory_space<semaphore_mem>>, %arg12: memref<8x!tpu.dma_semaphore, #tpu.memory_space<semaphore_mem>>, %arg13: memref<!tpu.dma_semaphore, #tpu.memory_space<semaphore_mem>>) attributes {dimension_semantics = [#tpu.dimension_semantics<core_parallel>, #tpu.dimension_semantics<subcore_parallel>], iteration_bounds = array<i64: 2, 16>, scalar_prefetch = 0 : i64, scratch_operands = 8 : i64, tpu.core_type = #tpu.core_type<sc_vector_subcore>, window_params = [{transform_indices = #map}, {transform_indices = #map}, {transform_indices = #map1}, {transform_indices = #map1}]} {
    %mul3A = arith.constant 2 : i32
    %mul3A_0 = arith.muli %arg1, %mul3A : i32
    %add3A = arith.addi %mul3A_0, %arg0 : i32
    %mul3A_1 = arith.constant 512 : i32
    %mul3A_2 = arith.muli %add3A, %mul3A_1 : i32
    %lt3A = arith.constant 15 : i32
    %lt3A_3 = arith.cmpi slt, %arg1, %lt3A : i32
    %convert_element_type3A = arith.extui %lt3A_3 : i1 to i32
    %cond3A = arith.constant 0 : i32
    %cond3A_4 = arith.cmpi ne, %convert_element_type3A, %cond3A : i32
    scf.if %cond3A_4 {
      %mul3A_374 = arith.constant 64 : i32
      %mul3A_375 = arith.muli %arg1, %mul3A_374 : i32
      %multiple_of3A = tpu.assume_multiple %mul3A_375, 8 : i32
      %dma_start3A_376 = arith.constant 0 : i32
      %dma_start3A_377 = tpu.memref_slice %arg6[%multiple_of3A, %dma_start3A_376] : memref<1001x128xf32, #tpu.memory_space<vmem_shared>> -> memref<64x128xf32, #tpu.memory_space<vmem_shared>>
      %dma_start3A_378 = arith.constant 0 : i32
      %dma_start3A_379 = tpu.memref_slice %arg4[%multiple_of3A, %dma_start3A_378] : memref<1001x128xf32, #tpu.memory_space<hbm>> -> memref<64x128xf32, #tpu.memory_space<hbm>>
      tpu.enqueue_dma source(%dma_start3A_379 : memref<64x128xf32, #tpu.memory_space<hbm>>) target(%dma_start3A_377 : memref<64x128xf32, #tpu.memory_space<vmem_shared>>) target_semaphore(%arg11 : memref<!tpu.dma_semaphore, #tpu.memory_space<semaphore_mem>>)
    } else {
    }
    %eq3A = arith.constant 15 : i32
    %eq3A_5 = arith.cmpi eq, %arg1, %eq3A : i32
    %convert_element_type3A_6 = arith.extui %eq3A_5 : i1 to i32
    %cond3A_7 = arith.constant 0 : i32
    %cond3A_8 = arith.cmpi ne, %convert_element_type3A_6, %cond3A_7 : i32
    scf.if %cond3A_8 {
      %dma_start3A_374 = arith.constant 960 : i32
      %dma_start3A_375 = arith.constant 0 : i32
      %dma_start3A_376 = tpu.memref_slice %arg6[%dma_start3A_374, %dma_start3A_375] : memref<1001x128xf32, #tpu.memory_space<vmem_shared>> -> memref<41x128xf32, #tpu.memory_space<vmem_shared>>
      %dma_start3A_377 = arith.constant 960 : i32
      %dma_start3A_378 = arith.constant 0 : i32
      %dma_start3A_379 = tpu.memref_slice %arg4[%dma_start3A_377, %dma_start3A_378] : memref<1001x128xf32, #tpu.memory_space<hbm>> -> memref<41x128xf32, #tpu.memory_space<hbm>>
      tpu.enqueue_dma source(%dma_start3A_379 : memref<41x128xf32, #tpu.memory_space<hbm>>) target(%dma_start3A_376 : memref<41x128xf32, #tpu.memory_space<vmem_shared>>) target_semaphore(%arg11 : memref<!tpu.dma_semaphore, #tpu.memory_space<semaphore_mem>>)
    } else {
    }
    "tpu.region"() ({
      %run_scoped3A = tpu.sem_alloc : memref<!tpu.dma_semaphore, #tpu.memory_space<semaphore_mem>>
      %dma_start3A_374 = tpu.memref_slice %arg2[%mul3A_2] : memref<16384xi32, #tpu.memory_space<hbm>> -> memref<512xi32, #tpu.memory_space<hbm>>
      %dma_start3A_375 = tpu.memref_slice %arg2[%mul3A_2] : memref<16384xi32, #tpu.memory_space<hbm>> -> memref<512xi32, #tpu.memory_space<hbm>>
      tpu.enqueue_dma source(%dma_start3A_375 : memref<512xi32, #tpu.memory_space<hbm>>) target(%arg7 : memref<512xi32, #tpu.memory_space<vmem>>) target_semaphore(%run_scoped3A : memref<!tpu.dma_semaphore, #tpu.memory_space<semaphore_mem>>)
      %dma_wait3A_376 = tpu.memref_slice %arg2[%mul3A_2] : memref<16384xi32, #tpu.memory_space<hbm>> -> memref<512xi32, #tpu.memory_space<hbm>>
      %dma_wait3A_377 = tpu.memref_slice %arg2[%mul3A_2] : memref<16384xi32, #tpu.memory_space<hbm>> -> memref<512xi32, #tpu.memory_space<hbm>>
      tpu.wait_dma2 semaphore(%run_scoped3A : memref<!tpu.dma_semaphore, #tpu.memory_space<semaphore_mem>>) src(%dma_wait3A_377 : memref<512xi32, #tpu.memory_space<hbm>>) dst(%arg7 : memref<512xi32, #tpu.memory_space<vmem>>)
      tpu.yield
    }) : () -> ()
    "tpu.region"() ({
      %run_scoped3A = tpu.sem_alloc : memref<!tpu.dma_semaphore, #tpu.memory_space<semaphore_mem>>
      %dma_start3A_374 = tpu.memref_slice %arg3[%mul3A_2] : memref<16384xi32, #tpu.memory_space<hbm>> -> memref<512xi32, #tpu.memory_space<hbm>>
      %dma_start3A_375 = tpu.memref_slice %arg3[%mul3A_2] : memref<16384xi32, #tpu.memory_space<hbm>> -> memref<512xi32, #tpu.memory_space<hbm>>
      tpu.enqueue_dma source(%dma_start3A_375 : memref<512xi32, #tpu.memory_space<hbm>>) target(%arg8 : memref<512xi32, #tpu.memory_space<vmem>>) target_semaphore(%run_scoped3A : memref<!tpu.dma_semaphore, #tpu.memory_space<semaphore_mem>>)
      %dma_wait3A_376 = tpu.memref_slice %arg3[%mul3A_2] : memref<16384xi32, #tpu.memory_space<hbm>> -> memref<512xi32, #tpu.memory_space<hbm>>
      %dma_wait3A_377 = tpu.memref_slice %arg3[%mul3A_2] : memref<16384xi32, #tpu.memory_space<hbm>> -> memref<512xi32, #tpu.memory_space<hbm>>
      tpu.wait_dma2 semaphore(%run_scoped3A : memref<!tpu.dma_semaphore, #tpu.memory_space<semaphore_mem>>) src(%dma_wait3A_377 : memref<512xi32, #tpu.memory_space<hbm>>) dst(%arg8 : memref<512xi32, #tpu.memory_space<vmem>>)
      tpu.yield
    }) : () -> ()
    %scan3A = arith.constant 0 : i32
    %scan3A_9 = arith.constant 0 : i32
    %scan3A_10 = arith.constant 32 : i32
    %scan3A_11 = arith.addi %scan3A_9, %scan3A_10 : i32
    %scan3A_12 = arith.constant 1 : i32
    scf.for %scan3A_374 = %scan3A_9 to %scan3A_11 step %scan3A_12  : i32 {
      %mul3A_375 = arith.constant 16 : i32
      %mul3A_376 = arith.muli %scan3A_374, %mul3A_375 : i32
      %multiple_of3A = tpu.assume_multiple %mul3A_376, 16 : i32
      %get3A = arith.index_cast %multiple_of3A : i32 to index
      %get3A_377 = tpu.vector_load %arg8[%get3A] {strides = array<i32>} : memref<512xi32, #tpu.memory_space<vmem>>, vector<16xi32>,
      %get3A_378 = vector.shape_cast %get3A_377 : vector<16xi32> to vector<16xi32>
      %eq3A_379 = arith.constant 1 : i32
      %eq3A_380 = vector.broadcast %eq3A_379 : i32 to vector<16xi32>
      %eq3A_381 = arith.cmpi eq, %get3A_378, %eq3A_380 : vector<16xi32>
      %get3A_382 = arith.index_cast %multiple_of3A : i32 to index
      %get3A_383 = tpu.vector_load %arg7[%get3A_382] {strides = array<i32>} : memref<512xi32, #tpu.memory_space<vmem>>, vector<16xi32>,
      %get3A_384 = vector.shape_cast %get3A_383 : vector<16xi32> to vector<16xi32>
      %jit3A = arith.constant 1000 : i32
      %broadcast_in_dim3A = vector.broadcast %jit3A : i32 to vector<16xi32>
      %select_n3A = arith.select %eq3A_381, %broadcast_in_dim3A, %get3A_384 : vector<16xi1>, vector<16xi32>
      %swap3A = arith.index_cast %multiple_of3A : i32 to index
      %swap3A_385 = tpu.vector_load %arg9[%swap3A] {strides = array<i32>} : memref<512xi32, #tpu.memory_space<vmem>>, vector<16xi32>,
      %swap3A_386 = vector.shape_cast %swap3A_385 : vector<16xi32> to vector<16xi32>
      %swap3A_387 = vector.shape_cast %select_n3A : vector<16xi32> to vector<16xi32>
      tpu.vector_store %arg9[%swap3A], %swap3A_387 {strides = array<i32>} : memref<512xi32, #tpu.memory_space<vmem>>, vector<16xi32>,
    }
    %scan3A_13 = arith.constant 32 : i32
    %lt3A_14 = arith.constant 15 : i32
    %lt3A_15 = arith.cmpi slt, %arg1, %lt3A_14 : i32
    %convert_element_type3A_16 = arith.extui %lt3A_15 : i1 to i32
    %cond3A_17 = arith.constant 0 : i32
    %cond3A_18 = arith.cmpi ne, %convert_element_type3A_16, %cond3A_17 : i32
    scf.if %cond3A_18 {
      %mul3A_374 = arith.constant 64 : i32
      %mul3A_375 = arith.muli %arg1, %mul3A_374 : i32
      %multiple_of3A = tpu.assume_multiple %mul3A_375, 8 : i32
      %dma_wait3A_376 = arith.constant 0 : i32
      %dma_wait3A_377 = tpu.memref_slice %arg6[%multiple_of3A, %dma_wait3A_376] : memref<1001x128xf32, #tpu.memory_space<vmem_shared>> -> memref<64x128xf32, #tpu.memory_space<vmem_shared>>
      %dma_wait3A_378 = arith.constant 0 : i32
      %dma_wait3A_379 = tpu.memref_slice %arg4[%multiple_of3A, %dma_wait3A_378] : memref<1001x128xf32, #tpu.memory_space<hbm>> -> memref<64x128xf32, #tpu.memory_space<hbm>>
      tpu.wait_dma2 semaphore(%arg11 : memref<!tpu.dma_semaphore, #tpu.memory_space<semaphore_mem>>) src(%dma_wait3A_379 : memref<64x128xf32, #tpu.memory_space<hbm>>) dst(%dma_wait3A_377 : memref<64x128xf32, #tpu.memory_space<vmem_shared>>)
    } else {
    }
    %eq3A_19 = arith.constant 15 : i32
    %eq3A_20 = arith.cmpi eq, %arg1, %eq3A_19 : i32
    %convert_element_type3A_21 = arith.extui %eq3A_20 : i1 to i32
    %cond3A_22 = arith.constant 0 : i32
    %cond3A_23 = arith.cmpi ne, %convert_element_type3A_21, %cond3A_22 : i32
    scf.if %cond3A_23 {
      %dma_wait3A_374 = arith.constant 960 : i32
      %dma_wait3A_375 = arith.constant 0 : i32
      %dma_wait3A_376 = tpu.memref_slice %arg6[%dma_wait3A_374, %dma_wait3A_375] : memref<1001x128xf32, #tpu.memory_space<vmem_shared>> -> memref<41x128xf32, #tpu.memory_space<vmem_shared>>
      %dma_wait3A_377 = arith.constant 960 : i32
      %dma_wait3A_378 = arith.constant 0 : i32
      %dma_wait3A_379 = tpu.memref_slice %arg4[%dma_wait3A_377, %dma_wait3A_378] : memref<1001x128xf32, #tpu.memory_space<hbm>> -> memref<41x128xf32, #tpu.memory_space<hbm>>
      tpu.wait_dma2 semaphore(%arg11 : memref<!tpu.dma_semaphore, #tpu.memory_space<semaphore_mem>>) src(%dma_wait3A_379 : memref<41x128xf32, #tpu.memory_space<hbm>>) dst(%dma_wait3A_376 : memref<41x128xf32, #tpu.memory_space<vmem_shared>>)
    } else {
    }
    %barrier3A = arith.constant 0 : index
    tpu.barrier barrier_id(%barrier3A)
    %dma_start3A = arith.constant 0 : i32
    %dma_start3A_24 = arith.constant 0 : i32
    %dma_start3A_25 = arith.constant 0 : i32
    %dma_start3A_26 = tpu.memref_slice %arg10[%dma_start3A_24, %dma_start3A_25] : memref<512x128xf32, #tpu.memory_space<vmem>> -> memref<64x128xf32, #tpu.memory_space<vmem>>
    %dma_start3A_27 = arith.constant 0 : i32
    %dma_start3A_28 = tpu.memref_slice %arg9[%dma_start3A_27] : memref<512xi32, #tpu.memory_space<vmem>> -> memref<64xi32, #tpu.memory_space<vmem>>
    %dma_start3A_29 = arith.constant 0 : i32
    %dma_start3A_30 = arith.constant 0 : i32
    %dma_start3A_31 = tpu.memref_slice %arg6[%dma_start3A_29, %dma_start3A_30] : memref<1001x128xf32, #tpu.memory_space<vmem_shared>> -> memref<1001x128xf32, #tpu.memory_space<vmem_shared>>
    %dma_start3A_32 = tpu.memref_slice %arg12[%dma_start3A] : memref<8x!tpu.dma_semaphore, #tpu.memory_space<semaphore_mem>> -> memref<1x!tpu.dma_semaphore, #tpu.memory_space<semaphore_mem>>
    %dma_start3A_33 = tpu.memref_squeeze %dma_start3A_32 : memref<1x!tpu.dma_semaphore, #tpu.memory_space<semaphore_mem>> -> memref<!tpu.dma_semaphore, #tpu.memory_space<semaphore_mem>>
    tpu.enqueue_indirect_dma source(%dma_start3A_31 : memref<1001x128xf32, #tpu.memory_space<vmem_shared>>) target(%dma_start3A_26 : memref<64x128xf32, #tpu.memory_space<vmem>>) offsets(%dma_start3A_28 : memref<64xi32, #tpu.memory_space<vmem>>) semaphore(%dma_start3A_33 : memref<!tpu.dma_semaphore, #tpu.memory_space<semaphore_mem>>)
    %dma_start3A_34 = arith.constant 1 : i32
    %dma_start3A_35 = arith.constant 64 : i32
    %dma_start3A_36 = arith.constant 0 : i32
    %dma_start3A_37 = tpu.memref_slice %arg10[%dma_start3A_35, %dma_start3A_36] : memref<512x128xf32, #tpu.memory_space<vmem>> -> memref<64x128xf32, #tpu.memory_space<vmem>>
    %dma_start3A_38 = arith.constant 64 : i32
    %dma_start3A_39 = tpu.memref_slice %arg9[%dma_start3A_38] : memref<512xi32, #tpu.memory_space<vmem>> -> memref<64xi32, #tpu.memory_space<vmem>>
    %dma_start3A_40 = arith.constant 0 : i32
    %dma_start3A_41 = arith.constant 0 : i32
    %dma_start3A_42 = tpu.memref_slice %arg6[%dma_start3A_40, %dma_start3A_41] : memref<1001x128xf32, #tpu.memory_space<vmem_shared>> -> memref<1001x128xf32, #tpu.memory_space<vmem_shared>>
    %dma_start3A_43 = tpu.memref_slice %arg12[%dma_start3A_34] : memref<8x!tpu.dma_semaphore, #tpu.memory_space<semaphore_mem>> -> memref<1x!tpu.dma_semaphore, #tpu.memory_space<semaphore_mem>>
    %dma_start3A_44 = tpu.memref_squeeze %dma_start3A_43 : memref<1x!tpu.dma_semaphore, #tpu.memory_space<semaphore_mem>> -> memref<!tpu.dma_semaphore, #tpu.memory_space<semaphore_mem>>
    tpu.enqueue_indirect_dma source(%dma_start3A_42 : memref<1001x128xf32, #tpu.memory_space<vmem_shared>>) target(%dma_start3A_37 : memref<64x128xf32, #tpu.memory_space<vmem>>) offsets(%dma_start3A_39 : memref<64xi32, #tpu.memory_space<vmem>>) semaphore(%dma_start3A_44 : memref<!tpu.dma_semaphore, #tpu.memory_space<semaphore_mem>>)
    %dma_start3A_45 = arith.constant 2 : i32
    %dma_start3A_46 = arith.constant 128 : i32
    %dma_start3A_47 = arith.constant 0 : i32
    %dma_start3A_48 = tpu.memref_slice %arg10[%dma_start3A_46, %dma_start3A_47] : memref<512x128xf32, #tpu.memory_space<vmem>> -> memref<64x128xf32, #tpu.memory_space<vmem>>
    %dma_start3A_49 = arith.constant 128 : i32
    %dma_start3A_50 = tpu.memref_slice %arg9[%dma_start3A_49] : memref<512xi32, #tpu.memory_space<vmem>> -> memref<64xi32, #tpu.memory_space<vmem>>
    %dma_start3A_51 = arith.constant 0 : i32
    %dma_start3A_52 = arith.constant 0 : i32
    %dma_start3A_53 = tpu.memref_slice %arg6[%dma_start3A_51, %dma_start3A_52] : memref<1001x128xf32, #tpu.memory_space<vmem_shared>> -> memref<1001x128xf32, #tpu.memory_space<vmem_shared>>
    %dma_start3A_54 = tpu.memref_slice %arg12[%dma_start3A_45] : memref<8x!tpu.dma_semaphore, #tpu.memory_space<semaphore_mem>> -> memref<1x!tpu.dma_semaphore, #tpu.memory_space<semaphore_mem>>
    %dma_start3A_55 = tpu.memref_squeeze %dma_start3A_54 : memref<1x!tpu.dma_semaphore, #tpu.memory_space<semaphore_mem>> -> memref<!tpu.dma_semaphore, #tpu.memory_space<semaphore_mem>>
    tpu.enqueue_indirect_dma source(%dma_start3A_53 : memref<1001x128xf32, #tpu.memory_space<vmem_shared>>) target(%dma_start3A_48 : memref<64x128xf32, #tpu.memory_space<vmem>>) offsets(%dma_start3A_50 : memref<64xi32, #tpu.memory_space<vmem>>) semaphore(%dma_start3A_55 : memref<!tpu.dma_semaphore, #tpu.memory_space<semaphore_mem>>)
    %dma_start3A_56 = arith.constant 3 : i32
    %dma_start3A_57 = arith.constant 192 : i32
    %dma_start3A_58 = arith.constant 0 : i32
    %dma_start3A_59 = tpu.memref_slice %arg10[%dma_start3A_57, %dma_start3A_58] : memref<512x128xf32, #tpu.memory_space<vmem>> -> memref<64x128xf32, #tpu.memory_space<vmem>>
    %dma_start3A_60 = arith.constant 192 : i32
    %dma_start3A_61 = tpu.memref_slice %arg9[%dma_start3A_60] : memref<512xi32, #tpu.memory_space<vmem>> -> memref<64xi32, #tpu.memory_space<vmem>>
    %dma_start3A_62 = arith.constant 0 : i32
    %dma_start3A_63 = arith.constant 0 : i32
    %dma_start3A_64 = tpu.memref_slice %arg6[%dma_start3A_62, %dma_start3A_63] : memref<1001x128xf32, #tpu.memory_space<vmem_shared>> -> memref<1001x128xf32, #tpu.memory_space<vmem_shared>>
    %dma_start3A_65 = tpu.memref_slice %arg12[%dma_start3A_56] : memref<8x!tpu.dma_semaphore, #tpu.memory_space<semaphore_mem>> -> memref<1x!tpu.dma_semaphore, #tpu.memory_space<semaphore_mem>>
    %dma_start3A_66 = tpu.memref_squeeze %dma_start3A_65 : memref<1x!tpu.dma_semaphore, #tpu.memory_space<semaphore_mem>> -> memref<!tpu.dma_semaphore, #tpu.memory_space<semaphore_mem>>
    tpu.enqueue_indirect_dma source(%dma_start3A_64 : memref<1001x128xf32, #tpu.memory_space<vmem_shared>>) target(%dma_start3A_59 : memref<64x128xf32, #tpu.memory_space<vmem>>) offsets(%dma_start3A_61 : memref<64xi32, #tpu.memory_space<vmem>>) semaphore(%dma_start3A_66 : memref<!tpu.dma_semaphore, #tpu.memory_space<semaphore_mem>>)
    %dma_start3A_67 = arith.constant 4 : i32
    %dma_start3A_68 = arith.constant 256 : i32
    %dma_start3A_69 = arith.constant 0 : i32
    %dma_start3A_70 = tpu.memref_slice %arg10[%dma_start3A_68, %dma_start3A_69] : memref<512x128xf32, #tpu.memory_space<vmem>> -> memref<64x128xf32, #tpu.memory_space<vmem>>
    %dma_start3A_71 = arith.constant 256 : i32
    %dma_start3A_72 = tpu.memref_slice %arg9[%dma_start3A_71] : memref<512xi32, #tpu.memory_space<vmem>> -> memref<64xi32, #tpu.memory_space<vmem>>
    %dma_start3A_73 = arith.constant 0 : i32
    %dma_start3A_74 = arith.constant 0 : i32
    %dma_start3A_75 = tpu.memref_slice %arg6[%dma_start3A_73, %dma_start3A_74] : memref<1001x128xf32, #tpu.memory_space<vmem_shared>> -> memref<1001x128xf32, #tpu.memory_space<vmem_shared>>
    %dma_start3A_76 = tpu.memref_slice %arg12[%dma_start3A_67] : memref<8x!tpu.dma_semaphore, #tpu.memory_space<semaphore_mem>> -> memref<1x!tpu.dma_semaphore, #tpu.memory_space<semaphore_mem>>
    %dma_start3A_77 = tpu.memref_squeeze %dma_start3A_76 : memref<1x!tpu.dma_semaphore, #tpu.memory_space<semaphore_mem>> -> memref<!tpu.dma_semaphore, #tpu.memory_space<semaphore_mem>>
    tpu.enqueue_indirect_dma source(%dma_start3A_75 : memref<1001x128xf32, #tpu.memory_space<vmem_shared>>) target(%dma_start3A_70 : memref<64x128xf32, #tpu.memory_space<vmem>>) offsets(%dma_start3A_72 : memref<64xi32, #tpu.memory_space<vmem>>) semaphore(%dma_start3A_77 : memref<!tpu.dma_semaphore, #tpu.memory_space<semaphore_mem>>)
    %dma_start3A_78 = arith.constant 5 : i32
    %dma_start3A_79 = arith.constant 320 : i32
    %dma_start3A_80 = arith.constant 0 : i32
    %dma_start3A_81 = tpu.memref_slice %arg10[%dma_start3A_79, %dma_start3A_80] : memref<512x128xf32, #tpu.memory_space<vmem>> -> memref<64x128xf32, #tpu.memory_space<vmem>>
    %dma_start3A_82 = arith.constant 320 : i32
    %dma_start3A_83 = tpu.memref_slice %arg9[%dma_start3A_82] : memref<512xi32, #tpu.memory_space<vmem>> -> memref<64xi32, #tpu.memory_space<vmem>>
    %dma_start3A_84 = arith.constant 0 : i32
    %dma_start3A_85 = arith.constant 0 : i32
    %dma_start3A_86 = tpu.memref_slice %arg6[%dma_start3A_84, %dma_start3A_85] : memref<1001x128xf32, #tpu.memory_space<vmem_shared>> -> memref<1001x128xf32, #tpu.memory_space<vmem_shared>>
    %dma_start3A_87 = tpu.memref_slice %arg12[%dma_start3A_78] : memref<8x!tpu.dma_semaphore, #tpu.memory_space<semaphore_mem>> -> memref<1x!tpu.dma_semaphore, #tpu.memory_space<semaphore_mem>>
    %dma_start3A_88 = tpu.memref_squeeze %dma_start3A_87 : memref<1x!tpu.dma_semaphore, #tpu.memory_space<semaphore_mem>> -> memref<!tpu.dma_semaphore, #tpu.memory_space<semaphore_mem>>
    tpu.enqueue_indirect_dma source(%dma_start3A_86 : memref<1001x128xf32, #tpu.memory_space<vmem_shared>>) target(%dma_start3A_81 : memref<64x128xf32, #tpu.memory_space<vmem>>) offsets(%dma_start3A_83 : memref<64xi32, #tpu.memory_space<vmem>>) semaphore(%dma_start3A_88 : memref<!tpu.dma_semaphore, #tpu.memory_space<semaphore_mem>>)
    %dma_start3A_89 = arith.constant 6 : i32
    %dma_start3A_90 = arith.constant 384 : i32
    %dma_start3A_91 = arith.constant 0 : i32
    %dma_start3A_92 = tpu.memref_slice %arg10[%dma_start3A_90, %dma_start3A_91] : memref<512x128xf32, #tpu.memory_space<vmem>> -> memref<64x128xf32, #tpu.memory_space<vmem>>
    %dma_start3A_93 = arith.constant 384 : i32
    %dma_start3A_94 = tpu.memref_slice %arg9[%dma_start3A_93] : memref<512xi32, #tpu.memory_space<vmem>> -> memref<64xi32, #tpu.memory_space<vmem>>
    %dma_start3A_95 = arith.constant 0 : i32
    %dma_start3A_96 = arith.constant 0 : i32
    %dma_start3A_97 = tpu.memref_slice %arg6[%dma_start3A_95, %dma_start3A_96] : memref<1001x128xf32, #tpu.memory_space<vmem_shared>> -> memref<1001x128xf32, #tpu.memory_space<vmem_shared>>
    %dma_start3A_98 = tpu.memref_slice %arg12[%dma_start3A_89] : memref<8x!tpu.dma_semaphore, #tpu.memory_space<semaphore_mem>> -> memref<1x!tpu.dma_semaphore, #tpu.memory_space<semaphore_mem>>
    %dma_start3A_99 = tpu.memref_squeeze %dma_start3A_98 : memref<1x!tpu.dma_semaphore, #tpu.memory_space<semaphore_mem>> -> memref<!tpu.dma_semaphore, #tpu.memory_space<semaphore_mem>>
    tpu.enqueue_indirect_dma source(%dma_start3A_97 : memref<1001x128xf32, #tpu.memory_space<vmem_shared>>) target(%dma_start3A_92 : memref<64x128xf32, #tpu.memory_space<vmem>>) offsets(%dma_start3A_94 : memref<64xi32, #tpu.memory_space<vmem>>) semaphore(%dma_start3A_99 : memref<!tpu.dma_semaphore, #tpu.memory_space<semaphore_mem>>)
    %dma_start3A_100 = arith.constant 7 : i32
    %dma_start3A_101 = arith.constant 448 : i32
    %dma_start3A_102 = arith.constant 0 : i32
    %dma_start3A_103 = tpu.memref_slice %arg10[%dma_start3A_101, %dma_start3A_102] : memref<512x128xf32, #tpu.memory_space<vmem>> -> memref<64x128xf32, #tpu.memory_space<vmem>>
    %dma_start3A_104 = arith.constant 448 : i32
    %dma_start3A_105 = tpu.memref_slice %arg9[%dma_start3A_104] : memref<512xi32, #tpu.memory_space<vmem>> -> memref<64xi32, #tpu.memory_space<vmem>>
    %dma_start3A_106 = arith.constant 0 : i32
    %dma_start3A_107 = arith.constant 0 : i32
    %dma_start3A_108 = tpu.memref_slice %arg6[%dma_start3A_106, %dma_start3A_107] : memref<1001x128xf32, #tpu.memory_space<vmem_shared>> -> memref<1001x128xf32, #tpu.memory_space<vmem_shared>>
    %dma_start3A_109 = tpu.memref_slice %arg12[%dma_start3A_100] : memref<8x!tpu.dma_semaphore, #tpu.memory_space<semaphore_mem>> -> memref<1x!tpu.dma_semaphore, #tpu.memory_space<semaphore_mem>>
    %dma_start3A_110 = tpu.memref_squeeze %dma_start3A_109 : memref<1x!tpu.dma_semaphore, #tpu.memory_space<semaphore_mem>> -> memref<!tpu.dma_semaphore, #tpu.memory_space<semaphore_mem>>
    tpu.enqueue_indirect_dma source(%dma_start3A_108 : memref<1001x128xf32, #tpu.memory_space<vmem_shared>>) target(%dma_start3A_103 : memref<64x128xf32, #tpu.memory_space<vmem>>) offsets(%dma_start3A_105 : memref<64xi32, #tpu.memory_space<vmem>>) semaphore(%dma_start3A_110 : memref<!tpu.dma_semaphore, #tpu.memory_space<semaphore_mem>>)
    %dma_wait3A = arith.constant 0 : i32
    %dma_wait3A_111 = arith.constant 0 : i32
    %dma_wait3A_112 = arith.constant 0 : i32
    %dma_wait3A_113 = tpu.memref_slice %arg10[%dma_wait3A_111, %dma_wait3A_112] : memref<512x128xf32, #tpu.memory_space<vmem>> -> memref<64x128xf32, #tpu.memory_space<vmem>>
    %dma_wait3A_114 = arith.constant 0 : i32
    %dma_wait3A_115 = tpu.memref_slice %arg9[%dma_wait3A_114] : memref<512xi32, #tpu.memory_space<vmem>> -> memref<64xi32, #tpu.memory_space<vmem>>
    %dma_wait3A_116 = arith.constant 0 : i32
    %dma_wait3A_117 = arith.constant 0 : i32
    %dma_wait3A_118 = tpu.memref_slice %arg6[%dma_wait3A_116, %dma_wait3A_117] : memref<1001x128xf32, #tpu.memory_space<vmem_shared>> -> memref<1001x128xf32, #tpu.memory_space<vmem_shared>>
    %dma_wait3A_119 = tpu.memref_slice %arg12[%dma_wait3A] : memref<8x!tpu.dma_semaphore, #tpu.memory_space<semaphore_mem>> -> memref<1x!tpu.dma_semaphore, #tpu.memory_space<semaphore_mem>>
    %dma_wait3A_120 = tpu.memref_squeeze %dma_wait3A_119 : memref<1x!tpu.dma_semaphore, #tpu.memory_space<semaphore_mem>> -> memref<!tpu.dma_semaphore, #tpu.memory_space<semaphore_mem>>
    tpu.wait_indirect_dma semaphore(%dma_wait3A_120 : memref<!tpu.dma_semaphore, #tpu.memory_space<semaphore_mem>>) src(%dma_wait3A_118 : memref<1001x128xf32, #tpu.memory_space<vmem_shared>>) dst(%dma_wait3A_113 : memref<64x128xf32, #tpu.memory_space<vmem>>)
    %add3A_121 = arith.constant 0 : i32
    %add3A_122 = arith.addi %mul3A_2, %add3A_121 : i32
    %dma_start3A_123 = arith.constant 0 : i32
    %dma_start3A_124 = arith.constant 0 : i32
    %dma_start3A_125 = tpu.memref_slice %arg10[%dma_start3A_123, %dma_start3A_124] : memref<512x128xf32, #tpu.memory_space<vmem>> -> memref<64x128xf32, #tpu.memory_space<vmem>>
    %dma_start3A_126 = arith.constant 0 : i32
    %dma_start3A_127 = tpu.memref_slice %arg5[%add3A_122, %dma_start3A_126] : memref<16384x128xf32, #tpu.memory_space<hbm>> -> memref<64x128xf32, #tpu.memory_space<hbm>>
    %dma_start3A_128 = arith.constant 0 : i32
    %dma_start3A_129 = tpu.memref_slice %arg5[%add3A_122, %dma_start3A_128] : memref<16384x128xf32, #tpu.memory_space<hbm>> -> memref<64x128xf32, #tpu.memory_space<hbm>>
    %dma_start3A_130 = arith.constant 0 : i32
    %dma_start3A_131 = arith.constant 0 : i32
    %dma_start3A_132 = tpu.memref_slice %arg10[%dma_start3A_130, %dma_start3A_131] : memref<512x128xf32, #tpu.memory_space<vmem>> -> memref<64x128xf32, #tpu.memory_space<vmem>>
    tpu.enqueue_dma source(%dma_start3A_132 : memref<64x128xf32, #tpu.memory_space<vmem>>) target(%dma_start3A_129 : memref<64x128xf32, #tpu.memory_space<hbm>>) target_semaphore(%arg13 : memref<!tpu.dma_semaphore, #tpu.memory_space<semaphore_mem>>)
    %dma_wait3A_133 = arith.constant 1 : i32
    %dma_wait3A_134 = arith.constant 64 : i32
    %dma_wait3A_135 = arith.constant 0 : i32
    %dma_wait3A_136 = tpu.memref_slice %arg10[%dma_wait3A_134, %dma_wait3A_135] : memref<512x128xf32, #tpu.memory_space<vmem>> -> memref<64x128xf32, #tpu.memory_space<vmem>>
    %dma_wait3A_137 = arith.constant 64 : i32
    %dma_wait3A_138 = tpu.memref_slice %arg9[%dma_wait3A_137] : memref<512xi32, #tpu.memory_space<vmem>> -> memref<64xi32, #tpu.memory_space<vmem>>
    %dma_wait3A_139 = arith.constant 0 : i32
    %dma_wait3A_140 = arith.constant 0 : i32
    %dma_wait3A_141 = tpu.memref_slice %arg6[%dma_wait3A_139, %dma_wait3A_140] : memref<1001x128xf32, #tpu.memory_space<vmem_shared>> -> memref<1001x128xf32, #tpu.memory_space<vmem_shared>>
    %dma_wait3A_142 = tpu.memref_slice %arg12[%dma_wait3A_133] : memref<8x!tpu.dma_semaphore, #tpu.memory_space<semaphore_mem>> -> memref<1x!tpu.dma_semaphore, #tpu.memory_space<semaphore_mem>>
    %dma_wait3A_143 = tpu.memref_squeeze %dma_wait3A_142 : memref<1x!tpu.dma_semaphore, #tpu.memory_space<semaphore_mem>> -> memref<!tpu.dma_semaphore, #tpu.memory_space<semaphore_mem>>
    tpu.wait_indirect_dma semaphore(%dma_wait3A_143 : memref<!tpu.dma_semaphore, #tpu.memory_space<semaphore_mem>>) src(%dma_wait3A_141 : memref<1001x128xf32, #tpu.memory_space<vmem_shared>>) dst(%dma_wait3A_136 : memref<64x128xf32, #tpu.memory_space<vmem>>)
    %add3A_144 = arith.constant 64 : i32
    %add3A_145 = arith.addi %mul3A_2, %add3A_144 : i32
    %dma_start3A_146 = arith.constant 64 : i32
    %dma_start3A_147 = arith.constant 0 : i32
    %dma_start3A_148 = tpu.memref_slice %arg10[%dma_start3A_146, %dma_start3A_147] : memref<512x128xf32, #tpu.memory_space<vmem>> -> memref<64x128xf32, #tpu.memory_space<vmem>>
    %dma_start3A_149 = arith.constant 0 : i32
    %dma_start3A_150 = tpu.memref_slice %arg5[%add3A_145, %dma_start3A_149] : memref<16384x128xf32, #tpu.memory_space<hbm>> -> memref<64x128xf32, #tpu.memory_space<hbm>>
    %dma_start3A_151 = arith.constant 0 : i32
    %dma_start3A_152 = tpu.memref_slice %arg5[%add3A_145, %dma_start3A_151] : memref<16384x128xf32, #tpu.memory_space<hbm>> -> memref<64x128xf32, #tpu.memory_space<hbm>>
    %dma_start3A_153 = arith.constant 64 : i32
    %dma_start3A_154 = arith.constant 0 : i32
    %dma_start3A_155 = tpu.memref_slice %arg10[%dma_start3A_153, %dma_start3A_154] : memref<512x128xf32, #tpu.memory_space<vmem>> -> memref<64x128xf32, #tpu.memory_space<vmem>>
    tpu.enqueue_dma source(%dma_start3A_155 : memref<64x128xf32, #tpu.memory_space<vmem>>) target(%dma_start3A_152 : memref<64x128xf32, #tpu.memory_space<hbm>>) target_semaphore(%arg13 : memref<!tpu.dma_semaphore, #tpu.memory_space<semaphore_mem>>)
    %dma_wait3A_156 = arith.constant 2 : i32
    %dma_wait3A_157 = arith.constant 128 : i32
    %dma_wait3A_158 = arith.constant 0 : i32
    %dma_wait3A_159 = tpu.memref_slice %arg10[%dma_wait3A_157, %dma_wait3A_158] : memref<512x128xf32, #tpu.memory_space<vmem>> -> memref<64x128xf32, #tpu.memory_space<vmem>>
    %dma_wait3A_160 = arith.constant 128 : i32
    %dma_wait3A_161 = tpu.memref_slice %arg9[%dma_wait3A_160] : memref<512xi32, #tpu.memory_space<vmem>> -> memref<64xi32, #tpu.memory_space<vmem>>
    %dma_wait3A_162 = arith.constant 0 : i32
    %dma_wait3A_163 = arith.constant 0 : i32
    %dma_wait3A_164 = tpu.memref_slice %arg6[%dma_wait3A_162, %dma_wait3A_163] : memref<1001x128xf32, #tpu.memory_space<vmem_shared>> -> memref<1001x128xf32, #tpu.memory_space<vmem_shared>>
    %dma_wait3A_165 = tpu.memref_slice %arg12[%dma_wait3A_156] : memref<8x!tpu.dma_semaphore, #tpu.memory_space<semaphore_mem>> -> memref<1x!tpu.dma_semaphore, #tpu.memory_space<semaphore_mem>>
    %dma_wait3A_166 = tpu.memref_squeeze %dma_wait3A_165 : memref<1x!tpu.dma_semaphore, #tpu.memory_space<semaphore_mem>> -> memref<!tpu.dma_semaphore, #tpu.memory_space<semaphore_mem>>
    tpu.wait_indirect_dma semaphore(%dma_wait3A_166 : memref<!tpu.dma_semaphore, #tpu.memory_space<semaphore_mem>>) src(%dma_wait3A_164 : memref<1001x128xf32, #tpu.memory_space<vmem_shared>>) dst(%dma_wait3A_159 : memref<64x128xf32, #tpu.memory_space<vmem>>)
    %add3A_167 = arith.constant 128 : i32
    %add3A_168 = arith.addi %mul3A_2, %add3A_167 : i32
    %dma_start3A_169 = arith.constant 128 : i32
    %dma_start3A_170 = arith.constant 0 : i32
    %dma_start3A_171 = tpu.memref_slice %arg10[%dma_start3A_169, %dma_start3A_170] : memref<512x128xf32, #tpu.memory_space<vmem>> -> memref<64x128xf32, #tpu.memory_space<vmem>>
    %dma_start3A_172 = arith.constant 0 : i32
    %dma_start3A_173 = tpu.memref_slice %arg5[%add3A_168, %dma_start3A_172] : memref<16384x128xf32, #tpu.memory_space<hbm>> -> memref<64x128xf32, #tpu.memory_space<hbm>>
    %dma_start3A_174 = arith.constant 0 : i32
    %dma_start3A_175 = tpu.memref_slice %arg5[%add3A_168, %dma_start3A_174] : memref<16384x128xf32, #tpu.memory_space<hbm>> -> memref<64x128xf32, #tpu.memory_space<hbm>>
    %dma_start3A_176 = arith.constant 128 : i32
    %dma_start3A_177 = arith.constant 0 : i32
    %dma_start3A_178 = tpu.memref_slice %arg10[%dma_start3A_176, %dma_start3A_177] : memref<512x128xf32, #tpu.memory_space<vmem>> -> memref<64x128xf32, #tpu.memory_space<vmem>>
    tpu.enqueue_dma source(%dma_start3A_178 : memref<64x128xf32, #tpu.memory_space<vmem>>) target(%dma_start3A_175 : memref<64x128xf32, #tpu.memory_space<hbm>>) target_semaphore(%arg13 : memref<!tpu.dma_semaphore, #tpu.memory_space<semaphore_mem>>)
    %dma_wait3A_179 = arith.constant 3 : i32
    %dma_wait3A_180 = arith.constant 192 : i32
    %dma_wait3A_181 = arith.constant 0 : i32
    %dma_wait3A_182 = tpu.memref_slice %arg10[%dma_wait3A_180, %dma_wait3A_181] : memref<512x128xf32, #tpu.memory_space<vmem>> -> memref<64x128xf32, #tpu.memory_space<vmem>>
    %dma_wait3A_183 = arith.constant 192 : i32
    %dma_wait3A_184 = tpu.memref_slice %arg9[%dma_wait3A_183] : memref<512xi32, #tpu.memory_space<vmem>> -> memref<64xi32, #tpu.memory_space<vmem>>
    %dma_wait3A_185 = arith.constant 0 : i32
    %dma_wait3A_186 = arith.constant 0 : i32
    %dma_wait3A_187 = tpu.memref_slice %arg6[%dma_wait3A_185, %dma_wait3A_186] : memref<1001x128xf32, #tpu.memory_space<vmem_shared>> -> memref<1001x128xf32, #tpu.memory_space<vmem_shared>>
    %dma_wait3A_188 = tpu.memref_slice %arg12[%dma_wait3A_179] : memref<8x!tpu.dma_semaphore, #tpu.memory_space<semaphore_mem>> -> memref<1x!tpu.dma_semaphore, #tpu.memory_space<semaphore_mem>>
    %dma_wait3A_189 = tpu.memref_squeeze %dma_wait3A_188 : memref<1x!tpu.dma_semaphore, #tpu.memory_space<semaphore_mem>> -> memref<!tpu.dma_semaphore, #tpu.memory_space<semaphore_mem>>
    tpu.wait_indirect_dma semaphore(%dma_wait3A_189 : memref<!tpu.dma_semaphore, #tpu.memory_space<semaphore_mem>>) src(%dma_wait3A_187 : memref<1001x128xf32, #tpu.memory_space<vmem_shared>>) dst(%dma_wait3A_182 : memref<64x128xf32, #tpu.memory_space<vmem>>)
    %add3A_190 = arith.constant 192 : i32
    %add3A_191 = arith.addi %mul3A_2, %add3A_190 : i32
    %dma_start3A_192 = arith.constant 192 : i32
    %dma_start3A_193 = arith.constant 0 : i32
    %dma_start3A_194 = tpu.memref_slice %arg10[%dma_start3A_192, %dma_start3A_193] : memref<512x128xf32, #tpu.memory_space<vmem>> -> memref<64x128xf32, #tpu.memory_space<vmem>>
    %dma_start3A_195 = arith.constant 0 : i32
    %dma_start3A_196 = tpu.memref_slice %arg5[%add3A_191, %dma_start3A_195] : memref<16384x128xf32, #tpu.memory_space<hbm>> -> memref<64x128xf32, #tpu.memory_space<hbm>>
    %dma_start3A_197 = arith.constant 0 : i32
    %dma_start3A_198 = tpu.memref_slice %arg5[%add3A_191, %dma_start3A_197] : memref<16384x128xf32, #tpu.memory_space<hbm>> -> memref<64x128xf32, #tpu.memory_space<hbm>>
    %dma_start3A_199 = arith.constant 192 : i32
    %dma_start3A_200 = arith.constant 0 : i32
    %dma_start3A_201 = tpu.memref_slice %arg10[%dma_start3A_199, %dma_start3A_200] : memref<512x128xf32, #tpu.memory_space<vmem>> -> memref<64x128xf32, #tpu.memory_space<vmem>>
    tpu.enqueue_dma source(%dma_start3A_201 : memref<64x128xf32, #tpu.memory_space<vmem>>) target(%dma_start3A_198 : memref<64x128xf32, #tpu.memory_space<hbm>>) target_semaphore(%arg13 : memref<!tpu.dma_semaphore, #tpu.memory_space<semaphore_mem>>)
    %dma_wait3A_202 = arith.constant 4 : i32
    %dma_wait3A_203 = arith.constant 256 : i32
    %dma_wait3A_204 = arith.constant 0 : i32
    %dma_wait3A_205 = tpu.memref_slice %arg10[%dma_wait3A_203, %dma_wait3A_204] : memref<512x128xf32, #tpu.memory_space<vmem>> -> memref<64x128xf32, #tpu.memory_space<vmem>>
    %dma_wait3A_206 = arith.constant 256 : i32
    %dma_wait3A_207 = tpu.memref_slice %arg9[%dma_wait3A_206] : memref<512xi32, #tpu.memory_space<vmem>> -> memref<64xi32, #tpu.memory_space<vmem>>
    %dma_wait3A_208 = arith.constant 0 : i32
    %dma_wait3A_209 = arith.constant 0 : i32
    %dma_wait3A_210 = tpu.memref_slice %arg6[%dma_wait3A_208, %dma_wait3A_209] : memref<1001x128xf32, #tpu.memory_space<vmem_shared>> -> memref<1001x128xf32, #tpu.memory_space<vmem_shared>>
    %dma_wait3A_211 = tpu.memref_slice %arg12[%dma_wait3A_202] : memref<8x!tpu.dma_semaphore, #tpu.memory_space<semaphore_mem>> -> memref<1x!tpu.dma_semaphore, #tpu.memory_space<semaphore_mem>>
    %dma_wait3A_212 = tpu.memref_squeeze %dma_wait3A_211 : memref<1x!tpu.dma_semaphore, #tpu.memory_space<semaphore_mem>> -> memref<!tpu.dma_semaphore, #tpu.memory_space<semaphore_mem>>
    tpu.wait_indirect_dma semaphore(%dma_wait3A_212 : memref<!tpu.dma_semaphore, #tpu.memory_space<semaphore_mem>>) src(%dma_wait3A_210 : memref<1001x128xf32, #tpu.memory_space<vmem_shared>>) dst(%dma_wait3A_205 : memref<64x128xf32, #tpu.memory_space<vmem>>)
    %add3A_213 = arith.constant 256 : i32
    %add3A_214 = arith.addi %mul3A_2, %add3A_213 : i32
    %dma_start3A_215 = arith.constant 256 : i32
    %dma_start3A_216 = arith.constant 0 : i32
    %dma_start3A_217 = tpu.memref_slice %arg10[%dma_start3A_215, %dma_start3A_216] : memref<512x128xf32, #tpu.memory_space<vmem>> -> memref<64x128xf32, #tpu.memory_space<vmem>>
    %dma_start3A_218 = arith.constant 0 : i32
    %dma_start3A_219 = tpu.memref_slice %arg5[%add3A_214, %dma_start3A_218] : memref<16384x128xf32, #tpu.memory_space<hbm>> -> memref<64x128xf32, #tpu.memory_space<hbm>>
    %dma_start3A_220 = arith.constant 0 : i32
    %dma_start3A_221 = tpu.memref_slice %arg5[%add3A_214, %dma_start3A_220] : memref<16384x128xf32, #tpu.memory_space<hbm>> -> memref<64x128xf32, #tpu.memory_space<hbm>>
    %dma_start3A_222 = arith.constant 256 : i32
    %dma_start3A_223 = arith.constant 0 : i32
    %dma_start3A_224 = tpu.memref_slice %arg10[%dma_start3A_222, %dma_start3A_223] : memref<512x128xf32, #tpu.memory_space<vmem>> -> memref<64x128xf32, #tpu.memory_space<vmem>>
    tpu.enqueue_dma source(%dma_start3A_224 : memref<64x128xf32, #tpu.memory_space<vmem>>) target(%dma_start3A_221 : memref<64x128xf32, #tpu.memory_space<hbm>>) target_semaphore(%arg13 : memref<!tpu.dma_semaphore, #tpu.memory_space<semaphore_mem>>)
    %dma_wait3A_225 = arith.constant 5 : i32
    %dma_wait3A_226 = arith.constant 320 : i32
    %dma_wait3A_227 = arith.constant 0 : i32
    %dma_wait3A_228 = tpu.memref_slice %arg10[%dma_wait3A_226, %dma_wait3A_227] : memref<512x128xf32, #tpu.memory_space<vmem>> -> memref<64x128xf32, #tpu.memory_space<vmem>>
    %dma_wait3A_229 = arith.constant 320 : i32
    %dma_wait3A_230 = tpu.memref_slice %arg9[%dma_wait3A_229] : memref<512xi32, #tpu.memory_space<vmem>> -> memref<64xi32, #tpu.memory_space<vmem>>
    %dma_wait3A_231 = arith.constant 0 : i32
    %dma_wait3A_232 = arith.constant 0 : i32
    %dma_wait3A_233 = tpu.memref_slice %arg6[%dma_wait3A_231, %dma_wait3A_232] : memref<1001x128xf32, #tpu.memory_space<vmem_shared>> -> memref<1001x128xf32, #tpu.memory_space<vmem_shared>>
    %dma_wait3A_234 = tpu.memref_slice %arg12[%dma_wait3A_225] : memref<8x!tpu.dma_semaphore, #tpu.memory_space<semaphore_mem>> -> memref<1x!tpu.dma_semaphore, #tpu.memory_space<semaphore_mem>>
    %dma_wait3A_235 = tpu.memref_squeeze %dma_wait3A_234 : memref<1x!tpu.dma_semaphore, #tpu.memory_space<semaphore_mem>> -> memref<!tpu.dma_semaphore, #tpu.memory_space<semaphore_mem>>
    tpu.wait_indirect_dma semaphore(%dma_wait3A_235 : memref<!tpu.dma_semaphore, #tpu.memory_space<semaphore_mem>>) src(%dma_wait3A_233 : memref<1001x128xf32, #tpu.memory_space<vmem_shared>>) dst(%dma_wait3A_228 : memref<64x128xf32, #tpu.memory_space<vmem>>)
    %add3A_236 = arith.constant 320 : i32
    %add3A_237 = arith.addi %mul3A_2, %add3A_236 : i32
    %dma_start3A_238 = arith.constant 320 : i32
    %dma_start3A_239 = arith.constant 0 : i32
    %dma_start3A_240 = tpu.memref_slice %arg10[%dma_start3A_238, %dma_start3A_239] : memref<512x128xf32, #tpu.memory_space<vmem>> -> memref<64x128xf32, #tpu.memory_space<vmem>>
    %dma_start3A_241 = arith.constant 0 : i32
    %dma_start3A_242 = tpu.memref_slice %arg5[%add3A_237, %dma_start3A_241] : memref<16384x128xf32, #tpu.memory_space<hbm>> -> memref<64x128xf32, #tpu.memory_space<hbm>>
    %dma_start3A_243 = arith.constant 0 : i32
    %dma_start3A_244 = tpu.memref_slice %arg5[%add3A_237, %dma_start3A_243] : memref<16384x128xf32, #tpu.memory_space<hbm>> -> memref<64x128xf32, #tpu.memory_space<hbm>>
    %dma_start3A_245 = arith.constant 320 : i32
    %dma_start3A_246 = arith.constant 0 : i32
    %dma_start3A_247 = tpu.memref_slice %arg10[%dma_start3A_245, %dma_start3A_246] : memref<512x128xf32, #tpu.memory_space<vmem>> -> memref<64x128xf32, #tpu.memory_space<vmem>>
    tpu.enqueue_dma source(%dma_start3A_247 : memref<64x128xf32, #tpu.memory_space<vmem>>) target(%dma_start3A_244 : memref<64x128xf32, #tpu.memory_space<hbm>>) target_semaphore(%arg13 : memref<!tpu.dma_semaphore, #tpu.memory_space<semaphore_mem>>)
    %dma_wait3A_248 = arith.constant 6 : i32
    %dma_wait3A_249 = arith.constant 384 : i32
    %dma_wait3A_250 = arith.constant 0 : i32
    %dma_wait3A_251 = tpu.memref_slice %arg10[%dma_wait3A_249, %dma_wait3A_250] : memref<512x128xf32, #tpu.memory_space<vmem>> -> memref<64x128xf32, #tpu.memory_space<vmem>>
    %dma_wait3A_252 = arith.constant 384 : i32
    %dma_wait3A_253 = tpu.memref_slice %arg9[%dma_wait3A_252] : memref<512xi32, #tpu.memory_space<vmem>> -> memref<64xi32, #tpu.memory_space<vmem>>
    %dma_wait3A_254 = arith.constant 0 : i32
    %dma_wait3A_255 = arith.constant 0 : i32
    %dma_wait3A_256 = tpu.memref_slice %arg6[%dma_wait3A_254, %dma_wait3A_255] : memref<1001x128xf32, #tpu.memory_space<vmem_shared>> -> memref<1001x128xf32, #tpu.memory_space<vmem_shared>>
    %dma_wait3A_257 = tpu.memref_slice %arg12[%dma_wait3A_248] : memref<8x!tpu.dma_semaphore, #tpu.memory_space<semaphore_mem>> -> memref<1x!tpu.dma_semaphore, #tpu.memory_space<semaphore_mem>>
    %dma_wait3A_258 = tpu.memref_squeeze %dma_wait3A_257 : memref<1x!tpu.dma_semaphore, #tpu.memory_space<semaphore_mem>> -> memref<!tpu.dma_semaphore, #tpu.memory_space<semaphore_mem>>
    tpu.wait_indirect_dma semaphore(%dma_wait3A_258 : memref<!tpu.dma_semaphore, #tpu.memory_space<semaphore_mem>>) src(%dma_wait3A_256 : memref<1001x128xf32, #tpu.memory_space<vmem_shared>>) dst(%dma_wait3A_251 : memref<64x128xf32, #tpu.memory_space<vmem>>)
    %add3A_259 = arith.constant 384 : i32
    %add3A_260 = arith.addi %mul3A_2, %add3A_259 : i32
    %dma_start3A_261 = arith.constant 384 : i32
    %dma_start3A_262 = arith.constant 0 : i32
    %dma_start3A_263 = tpu.memref_slice %arg10[%dma_start3A_261, %dma_start3A_262] : memref<512x128xf32, #tpu.memory_space<vmem>> -> memref<64x128xf32, #tpu.memory_space<vmem>>
    %dma_start3A_264 = arith.constant 0 : i32
    %dma_start3A_265 = tpu.memref_slice %arg5[%add3A_260, %dma_start3A_264] : memref<16384x128xf32, #tpu.memory_space<hbm>> -> memref<64x128xf32, #tpu.memory_space<hbm>>
    %dma_start3A_266 = arith.constant 0 : i32
    %dma_start3A_267 = tpu.memref_slice %arg5[%add3A_260, %dma_start3A_266] : memref<16384x128xf32, #tpu.memory_space<hbm>> -> memref<64x128xf32, #tpu.memory_space<hbm>>
    %dma_start3A_268 = arith.constant 384 : i32
    %dma_start3A_269 = arith.constant 0 : i32
    %dma_start3A_270 = tpu.memref_slice %arg10[%dma_start3A_268, %dma_start3A_269] : memref<512x128xf32, #tpu.memory_space<vmem>> -> memref<64x128xf32, #tpu.memory_space<vmem>>
    tpu.enqueue_dma source(%dma_start3A_270 : memref<64x128xf32, #tpu.memory_space<vmem>>) target(%dma_start3A_267 : memref<64x128xf32, #tpu.memory_space<hbm>>) target_semaphore(%arg13 : memref<!tpu.dma_semaphore, #tpu.memory_space<semaphore_mem>>)
    %dma_wait3A_271 = arith.constant 7 : i32
    %dma_wait3A_272 = arith.constant 448 : i32
    %dma_wait3A_273 = arith.constant 0 : i32
    %dma_wait3A_274 = tpu.memref_slice %arg10[%dma_wait3A_272, %dma_wait3A_273] : memref<512x128xf32, #tpu.memory_space<vmem>> -> memref<64x128xf32, #tpu.memory_space<vmem>>
    %dma_wait3A_275 = arith.constant 448 : i32
    %dma_wait3A_276 = tpu.memref_slice %arg9[%dma_wait3A_275] : memref<512xi32, #tpu.memory_space<vmem>> -> memref<64xi32, #tpu.memory_space<vmem>>
    %dma_wait3A_277 = arith.constant 0 : i32
    %dma_wait3A_278 = arith.constant 0 : i32
    %dma_wait3A_279 = tpu.memref_slice %arg6[%dma_wait3A_277, %dma_wait3A_278] : memref<1001x128xf32, #tpu.memory_space<vmem_shared>> -> memref<1001x128xf32, #tpu.memory_space<vmem_shared>>
    %dma_wait3A_280 = tpu.memref_slice %arg12[%dma_wait3A_271] : memref<8x!tpu.dma_semaphore, #tpu.memory_space<semaphore_mem>> -> memref<1x!tpu.dma_semaphore, #tpu.memory_space<semaphore_mem>>
    %dma_wait3A_281 = tpu.memref_squeeze %dma_wait3A_280 : memref<1x!tpu.dma_semaphore, #tpu.memory_space<semaphore_mem>> -> memref<!tpu.dma_semaphore, #tpu.memory_space<semaphore_mem>>
    tpu.wait_indirect_dma semaphore(%dma_wait3A_281 : memref<!tpu.dma_semaphore, #tpu.memory_space<semaphore_mem>>) src(%dma_wait3A_279 : memref<1001x128xf32, #tpu.memory_space<vmem_shared>>) dst(%dma_wait3A_274 : memref<64x128xf32, #tpu.memory_space<vmem>>)
    %add3A_282 = arith.constant 448 : i32
    %add3A_283 = arith.addi %mul3A_2, %add3A_282 : i32
    %dma_start3A_284 = arith.constant 448 : i32
    %dma_start3A_285 = arith.constant 0 : i32
    %dma_start3A_286 = tpu.memref_slice %arg10[%dma_start3A_284, %dma_start3A_285] : memref<512x128xf32, #tpu.memory_space<vmem>> -> memref<64x128xf32, #tpu.memory_space<vmem>>
    %dma_start3A_287 = arith.constant 0 : i32
    %dma_start3A_288 = tpu.memref_slice %arg5[%add3A_283, %dma_start3A_287] : memref<16384x128xf32, #tpu.memory_space<hbm>> -> memref<64x128xf32, #tpu.memory_space<hbm>>
    %dma_start3A_289 = arith.constant 0 : i32
    %dma_start3A_290 = tpu.memref_slice %arg5[%add3A_283, %dma_start3A_289] : memref<16384x128xf32, #tpu.memory_space<hbm>> -> memref<64x128xf32, #tpu.memory_space<hbm>>
    %dma_start3A_291 = arith.constant 448 : i32
    %dma_start3A_292 = arith.constant 0 : i32
    %dma_start3A_293 = tpu.memref_slice %arg10[%dma_start3A_291, %dma_start3A_292] : memref<512x128xf32, #tpu.memory_space<vmem>> -> memref<64x128xf32, #tpu.memory_space<vmem>>
    tpu.enqueue_dma source(%dma_start3A_293 : memref<64x128xf32, #tpu.memory_space<vmem>>) target(%dma_start3A_290 : memref<64x128xf32, #tpu.memory_space<hbm>>) target_semaphore(%arg13 : memref<!tpu.dma_semaphore, #tpu.memory_space<semaphore_mem>>)
    %dma_wait3A_294 = arith.constant 0 : i32
    %dma_wait3A_295 = arith.constant 0 : i32
    %dma_wait3A_296 = tpu.memref_slice %arg10[%dma_wait3A_294, %dma_wait3A_295] : memref<512x128xf32, #tpu.memory_space<vmem>> -> memref<64x128xf32, #tpu.memory_space<vmem>>
    %dma_wait3A_297 = arith.constant 0 : i32
    %dma_wait3A_298 = tpu.memref_slice %arg5[%add3A_122, %dma_wait3A_297] : memref<16384x128xf32, #tpu.memory_space<hbm>> -> memref<64x128xf32, #tpu.memory_space<hbm>>
    %dma_wait3A_299 = arith.constant 0 : i32
    %dma_wait3A_300 = tpu.memref_slice %arg5[%add3A_122, %dma_wait3A_299] : memref<16384x128xf32, #tpu.memory_space<hbm>> -> memref<64x128xf32, #tpu.memory_space<hbm>>
    %dma_wait3A_301 = arith.constant 0 : i32
    %dma_wait3A_302 = arith.constant 0 : i32
    %dma_wait3A_303 = tpu.memref_slice %arg10[%dma_wait3A_301, %dma_wait3A_302] : memref<512x128xf32, #tpu.memory_space<vmem>> -> memref<64x128xf32, #tpu.memory_space<vmem>>
    tpu.wait_dma2 semaphore(%arg13 : memref<!tpu.dma_semaphore, #tpu.memory_space<semaphore_mem>>) src(%dma_wait3A_303 : memref<64x128xf32, #tpu.memory_space<vmem>>) dst(%dma_wait3A_300 : memref<64x128xf32, #tpu.memory_space<hbm>>)
    %dma_wait3A_304 = arith.constant 64 : i32
    %dma_wait3A_305 = arith.constant 0 : i32
    %dma_wait3A_306 = tpu.memref_slice %arg10[%dma_wait3A_304, %dma_wait3A_305] : memref<512x128xf32, #tpu.memory_space<vmem>> -> memref<64x128xf32, #tpu.memory_space<vmem>>
    %dma_wait3A_307 = arith.constant 0 : i32
    %dma_wait3A_308 = tpu.memref_slice %arg5[%add3A_145, %dma_wait3A_307] : memref<16384x128xf32, #tpu.memory_space<hbm>> -> memref<64x128xf32, #tpu.memory_space<hbm>>
    %dma_wait3A_309 = arith.constant 0 : i32
    %dma_wait3A_310 = tpu.memref_slice %arg5[%add3A_145, %dma_wait3A_309] : memref<16384x128xf32, #tpu.memory_space<hbm>> -> memref<64x128xf32, #tpu.memory_space<hbm>>
    %dma_wait3A_311 = arith.constant 64 : i32
    %dma_wait3A_312 = arith.constant 0 : i32
    %dma_wait3A_313 = tpu.memref_slice %arg10[%dma_wait3A_311, %dma_wait3A_312] : memref<512x128xf32, #tpu.memory_space<vmem>> -> memref<64x128xf32, #tpu.memory_space<vmem>>
    tpu.wait_dma2 semaphore(%arg13 : memref<!tpu.dma_semaphore, #tpu.memory_space<semaphore_mem>>) src(%dma_wait3A_313 : memref<64x128xf32, #tpu.memory_space<vmem>>) dst(%dma_wait3A_310 : memref<64x128xf32, #tpu.memory_space<hbm>>)
    %dma_wait3A_314 = arith.constant 128 : i32
    %dma_wait3A_315 = arith.constant 0 : i32
    %dma_wait3A_316 = tpu.memref_slice %arg10[%dma_wait3A_314, %dma_wait3A_315] : memref<512x128xf32, #tpu.memory_space<vmem>> -> memref<64x128xf32, #tpu.memory_space<vmem>>
    %dma_wait3A_317 = arith.constant 0 : i32
    %dma_wait3A_318 = tpu.memref_slice %arg5[%add3A_168, %dma_wait3A_317] : memref<16384x128xf32, #tpu.memory_space<hbm>> -> memref<64x128xf32, #tpu.memory_space<hbm>>
    %dma_wait3A_319 = arith.constant 0 : i32
    %dma_wait3A_320 = tpu.memref_slice %arg5[%add3A_168, %dma_wait3A_319] : memref<16384x128xf32, #tpu.memory_space<hbm>> -> memref<64x128xf32, #tpu.memory_space<hbm>>
    %dma_wait3A_321 = arith.constant 128 : i32
    %dma_wait3A_322 = arith.constant 0 : i32
    %dma_wait3A_323 = tpu.memref_slice %arg10[%dma_wait3A_321, %dma_wait3A_322] : memref<512x128xf32, #tpu.memory_space<vmem>> -> memref<64x128xf32, #tpu.memory_space<vmem>>
    tpu.wait_dma2 semaphore(%arg13 : memref<!tpu.dma_semaphore, #tpu.memory_space<semaphore_mem>>) src(%dma_wait3A_323 : memref<64x128xf32, #tpu.memory_space<vmem>>) dst(%dma_wait3A_320 : memref<64x128xf32, #tpu.memory_space<hbm>>)
    %dma_wait3A_324 = arith.constant 192 : i32
    %dma_wait3A_325 = arith.constant 0 : i32
    %dma_wait3A_326 = tpu.memref_slice %arg10[%dma_wait3A_324, %dma_wait3A_325] : memref<512x128xf32, #tpu.memory_space<vmem>> -> memref<64x128xf32, #tpu.memory_space<vmem>>
    %dma_wait3A_327 = arith.constant 0 : i32
    %dma_wait3A_328 = tpu.memref_slice %arg5[%add3A_191, %dma_wait3A_327] : memref<16384x128xf32, #tpu.memory_space<hbm>> -> memref<64x128xf32, #tpu.memory_space<hbm>>
    %dma_wait3A_329 = arith.constant 0 : i32
    %dma_wait3A_330 = tpu.memref_slice %arg5[%add3A_191, %dma_wait3A_329] : memref<16384x128xf32, #tpu.memory_space<hbm>> -> memref<64x128xf32, #tpu.memory_space<hbm>>
    %dma_wait3A_331 = arith.constant 192 : i32
    %dma_wait3A_332 = arith.constant 0 : i32
    %dma_wait3A_333 = tpu.memref_slice %arg10[%dma_wait3A_331, %dma_wait3A_332] : memref<512x128xf32, #tpu.memory_space<vmem>> -> memref<64x128xf32, #tpu.memory_space<vmem>>
    tpu.wait_dma2 semaphore(%arg13 : memref<!tpu.dma_semaphore, #tpu.memory_space<semaphore_mem>>) src(%dma_wait3A_333 : memref<64x128xf32, #tpu.memory_space<vmem>>) dst(%dma_wait3A_330 : memref<64x128xf32, #tpu.memory_space<hbm>>)
    %dma_wait3A_334 = arith.constant 256 : i32
    %dma_wait3A_335 = arith.constant 0 : i32
    %dma_wait3A_336 = tpu.memref_slice %arg10[%dma_wait3A_334, %dma_wait3A_335] : memref<512x128xf32, #tpu.memory_space<vmem>> -> memref<64x128xf32, #tpu.memory_space<vmem>>
    %dma_wait3A_337 = arith.constant 0 : i32
    %dma_wait3A_338 = tpu.memref_slice %arg5[%add3A_214, %dma_wait3A_337] : memref<16384x128xf32, #tpu.memory_space<hbm>> -> memref<64x128xf32, #tpu.memory_space<hbm>>
    %dma_wait3A_339 = arith.constant 0 : i32
    %dma_wait3A_340 = tpu.memref_slice %arg5[%add3A_214, %dma_wait3A_339] : memref<16384x128xf32, #tpu.memory_space<hbm>> -> memref<64x128xf32, #tpu.memory_space<hbm>>
    %dma_wait3A_341 = arith.constant 256 : i32
    %dma_wait3A_342 = arith.constant 0 : i32
    %dma_wait3A_343 = tpu.memref_slice %arg10[%dma_wait3A_341, %dma_wait3A_342] : memref<512x128xf32, #tpu.memory_space<vmem>> -> memref<64x128xf32, #tpu.memory_space<vmem>>
    tpu.wait_dma2 semaphore(%arg13 : memref<!tpu.dma_semaphore, #tpu.memory_space<semaphore_mem>>) src(%dma_wait3A_343 : memref<64x128xf32, #tpu.memory_space<vmem>>) dst(%dma_wait3A_340 : memref<64x128xf32, #tpu.memory_space<hbm>>)
    %dma_wait3A_344 = arith.constant 320 : i32
    %dma_wait3A_345 = arith.constant 0 : i32
    %dma_wait3A_346 = tpu.memref_slice %arg10[%dma_wait3A_344, %dma_wait3A_345] : memref<512x128xf32, #tpu.memory_space<vmem>> -> memref<64x128xf32, #tpu.memory_space<vmem>>
    %dma_wait3A_347 = arith.constant 0 : i32
    %dma_wait3A_348 = tpu.memref_slice %arg5[%add3A_237, %dma_wait3A_347] : memref<16384x128xf32, #tpu.memory_space<hbm>> -> memref<64x128xf32, #tpu.memory_space<hbm>>
    %dma_wait3A_349 = arith.constant 0 : i32
    %dma_wait3A_350 = tpu.memref_slice %arg5[%add3A_237, %dma_wait3A_349] : memref<16384x128xf32, #tpu.memory_space<hbm>> -> memref<64x128xf32, #tpu.memory_space<hbm>>
    %dma_wait3A_351 = arith.constant 320 : i32
    %dma_wait3A_352 = arith.constant 0 : i32
    %dma_wait3A_353 = tpu.memref_slice %arg10[%dma_wait3A_351, %dma_wait3A_352] : memref<512x128xf32, #tpu.memory_space<vmem>> -> memref<64x128xf32, #tpu.memory_space<vmem>>
    tpu.wait_dma2 semaphore(%arg13 : memref<!tpu.dma_semaphore, #tpu.memory_space<semaphore_mem>>) src(%dma_wait3A_353 : memref<64x128xf32, #tpu.memory_space<vmem>>) dst(%dma_wait3A_350 : memref<64x128xf32, #tpu.memory_space<hbm>>)
    %dma_wait3A_354 = arith.constant 384 : i32
    %dma_wait3A_355 = arith.constant 0 : i32
    %dma_wait3A_356 = tpu.memref_slice %arg10[%dma_wait3A_354, %dma_wait3A_355] : memref<512x128xf32, #tpu.memory_space<vmem>> -> memref<64x128xf32, #tpu.memory_space<vmem>>
    %dma_wait3A_357 = arith.constant 0 : i32
    %dma_wait3A_358 = tpu.memref_slice %arg5[%add3A_260, %dma_wait3A_357] : memref<16384x128xf32, #tpu.memory_space<hbm>> -> memref<64x128xf32, #tpu.memory_space<hbm>>
    %dma_wait3A_359 = arith.constant 0 : i32
    %dma_wait3A_360 = tpu.memref_slice %arg5[%add3A_260, %dma_wait3A_359] : memref<16384x128xf32, #tpu.memory_space<hbm>> -> memref<64x128xf32, #tpu.memory_space<hbm>>
    %dma_wait3A_361 = arith.constant 384 : i32
    %dma_wait3A_362 = arith.constant 0 : i32
    %dma_wait3A_363 = tpu.memref_slice %arg10[%dma_wait3A_361, %dma_wait3A_362] : memref<512x128xf32, #tpu.memory_space<vmem>> -> memref<64x128xf32, #tpu.memory_space<vmem>>
    tpu.wait_dma2 semaphore(%arg13 : memref<!tpu.dma_semaphore, #tpu.memory_space<semaphore_mem>>) src(%dma_wait3A_363 : memref<64x128xf32, #tpu.memory_space<vmem>>) dst(%dma_wait3A_360 : memref<64x128xf32, #tpu.memory_space<hbm>>)
    %dma_wait3A_364 = arith.constant 448 : i32
    %dma_wait3A_365 = arith.constant 0 : i32
    %dma_wait3A_366 = tpu.memref_slice %arg10[%dma_wait3A_364, %dma_wait3A_365] : memref<512x128xf32, #tpu.memory_space<vmem>> -> memref<64x128xf32, #tpu.memory_space<vmem>>
    %dma_wait3A_367 = arith.constant 0 : i32
    %dma_wait3A_368 = tpu.memref_slice %arg5[%add3A_283, %dma_wait3A_367] : memref<16384x128xf32, #tpu.memory_space<hbm>> -> memref<64x128xf32, #tpu.memory_space<hbm>>
    %dma_wait3A_369 = arith.constant 0 : i32
    %dma_wait3A_370 = tpu.memref_slice %arg5[%add3A_283, %dma_wait3A_369] : memref<16384x128xf32, #tpu.memory_space<hbm>> -> memref<64x128xf32, #tpu.memory_space<hbm>>
    %dma_wait3A_371 = arith.constant 448 : i32
    %dma_wait3A_372 = arith.constant 0 : i32
    %dma_wait3A_373 = tpu.memref_slice %arg10[%dma_wait3A_371, %dma_wait3A_372] : memref<512x128xf32, #tpu.memory_space<vmem>> -> memref<64x128xf32, #tpu.memory_space<vmem>>
    tpu.wait_dma2 semaphore(%arg13 : memref<!tpu.dma_semaphore, #tpu.memory_space<semaphore_mem>>) src(%dma_wait3A_373 : memref<64x128xf32, #tpu.memory_space<vmem>>) dst(%dma_wait3A_370 : memref<64x128xf32, #tpu.memory_space<hbm>>)
    return
  }
}

</mosaic_0001>

<sc_bundles>
// kernel: kernel.3.cloned.1.call-start
scs
__scs_entry_jumppad:
0x0: {  	(pc) =	sbr.rel $0x88, $3  }
0x1: {  	(tag) =	ssettag $0x0;
	lr =	simm.s32 $0x1  }
0x2: {  	[smem:$0x3F9E] =	sst lr;
	_ =	strace $0xD0000000  }
0x3: {  	_ = 	snop  }
0x4: {  	_ = 	snop  }
0x5: {  	_ = 	snop  }
0x6: {  	_ = 	snop  }
0x7: {  	_ = 	snop  }
__scs_overlays_trampoline_lowered:
0x8: {  	[smem:$0x3FAD] =	sst s0  }
0x9: {  	[smem:$0x3FAE] =	sst s1  }
0xa: {  	[smem:$0x3FAF] =	sst s2  }
0xb: {  	[smem:$0x3FB0] =	sst s3  }
0xc: {  	[smem:$0x3FB1] =	sst s4  }
0xd: {  	[smem:$0x3FB2] =	sst s5  }
0xe: {  	[smem:$0x3FB3] =	sst s6  }
0xf: {  	[smem:$0x3FB4] =	sst s7  }
0x10: {  	[smem:$0x3FB5] =	sst s8  }
0x11: {  	[smem:$0x3FB6] =	sst s9;
	s0 =	simm.s32 @!p0 $0x0  }
0x12: {  	s1 =	sld [smem:$0x3F9C];
	s0 =	simm.s32 @p0 $0x1  }
0x13: {  	[smem:$0x3FB7] =	sst s0;
	s0 =	simm.s32 @!p1 $0x0  }
0x14: {  	s2 =	sld [smem:$0x3F9B];
	s0 =	simm.s32 @p1 $0x1  }
0x15: {  	[smem:$0x3FB8] =	sst s0;
	s0 =	simm.s32 @!p2 $0x0  }
0x16: {  	s3 =	sld [smem:$0x3FDB];
	s0 =	simm.s32 @p2 $0x1  }
0x17: {  	s4 =	simm.s32 $0x1BF5;
	[smem:$0x3FBA] =	sst s0  }
0x18: {  	s0 =	sld [smem:$0x3F9D];
	_ =	swait.ge [sflag:s4], $0x0  }
0x19: {  	s7 =	sld [smem:$0x3F9E]  }
0x1a: {  	s8 =	sadd.s32 $0xFFFFE003, lr  }
0x1b: {  	s9 =	sadd.s32 $0xFFFFFEF7, lr;
	s5 =	simm.s32 $0xFFFFFFFF;
	p2 =	slt.u32 s8, $0xFFFFF086  }
0x1c: {  	p1 =	slt.u32 s9, $0xF7A;
	s5 =	simm.s32 @!p2 $0x0  }
0x1d: {  	s5 =	simm.s32 @p1 $0x1;
	p0 =	seq.s32 s7, s2  }
0x1e: {  	s7 =	smul.u32 @!p0 $0xF7A, s2;
	p2 =	seq.s32 @!p0 s5, $0x0  }
0x1f: {  	s9 =	smul.u32 $0xF7A, s1;
	s8 =	simm.s32 @!p0 $0x1BF5;
	p2 =	por !p2, p0  }
0x20: {  	[sflag:s8] =	ssyncset.s32 @!p0 $0xFFFFF086;
	s6 =	sadd.s32 @!p0 s3, s7;
	s7 =	simm.s32 @!p0 $0x108  }
0x21: {  	s3 =	sadd.s32 s3, s9;
	s6 =	sadd.s32 @!p0 $0x88, s6;
	s7 =	simm.s32 @p2 $0x1082  }
0x22: {  	[simem:s7], [sflag:s8] =	dma.local @!p0 [hbm:s6], $0xF7A  }
0x23: {  	s9 =	sor.u32 $0xD0000000, s2;
	s6 =	simm.s32 $0x108;
	_ =	swait.ge @!p0 [sflag:s8], $0x0  }
0x24: {  	s3 =	sadd.s32 $0x88, s3;
	s6 =	simm.s32 @!p1 $0x1082;
	[sflag:s4] =	ssyncset.s32 $0xFFFFF086  }
0x25: {  	[simem:s6], [sflag:s4] =	dma.local [hbm:s3], $0xF7A  }
0x26: {  	[smem:$0x3F9E] =	sst s1;
	(tag) =	ssettag s2;
	_ =	strace s9  }
0x27: {  	s1 =	sld [smem:$0x3FAE]  }
0x28: {  	s2 =	sld [smem:$0x3FAF]  }
0x29: {  	s4 =	sld [smem:$0x3FB1]  }
0x2a: {  	p0 =	seq.s32 s5, $0x0;
	s5 =	sld [smem:$0x3FB2]  }
0x2b: {  	s6 =	sld [smem:$0x3FB3]  }
0x2c: {  	s7 =	sld [smem:$0x3FB4]  }
0x2d: {  	s3 =	simm.s32 $0x108;
	s8 =	sld [smem:$0x3FB5]  }
0x2e: {  	s3 =	simm.s32 @!p0 $0x1082;
	s9 =	sld [smem:$0x3FB6]  }
0x2f: {  	lr =	sadd.s32 s0, s3;
	s0 =	sld [smem:$0x3FAD]  }
0x30: {  	s3 =	sld [smem:$0x3FB0]  }
0x31: {  	[smem:$0x3FB9] =	sst s10  }
0x32: {  	s10 =	sld [smem:$0x3FB7];
	_ =	sdelay $0x3  }
0x33: {  	p0 =	seq.s32 s10, $0x1;
	s10 =	sld [smem:$0x3FB9];
	_ =	sdelay $0x3  }
0x34: {  	[smem:$0x3FB9] =	sst s10  }
0x35: {  	s10 =	sld [smem:$0x3FB8];
	_ =	sdelay $0x3  }
0x36: {  	p1 =	seq.s32 s10, $0x1;
	s10 =	sld [smem:$0x3FB9];
	_ =	sdelay $0x3  }
0x37: {  	[smem:$0x3FB9] =	sst s10  }
0x38: {  	s10 =	sld [smem:$0x3FBA]  }
0x39: {  	_ = 	snop;
	(pc) =	sbr.ind lr, $3  }
0x3a: {  	_ = 	snop  }
0x3b: {  	_ = 	snop  }
0x3c: {  	p2 =	seq.s32 s10, $0x1;
	s10 =	sld [smem:$0x3FB9]  }
0x3d: {  	_ =	shalt  }
0x3e: {  	_ =	shalt  }
0x3f: {  	_ =	shalt  }
0x40: {  	_ =	shalt  }
0x41: {  	_ =	shalt  }
0x42: {  	_ =	shalt  }
0x43: {  	_ =	shalt  }
0x44: {  	_ =	shalt  }
0x45: {  	_ =	shalt  }
0x46: {  	_ =	shalt  }
0x47: {  	_ =	shalt  }
0x48: {  	_ =	shalt  }
0x49: {  	_ =	shalt  }
0x4a: {  	_ =	shalt  }
0x4b: {  	_ =	shalt  }
0x4c: {  	_ =	shalt  }
0x4d: {  	_ =	shalt  }
0x4e: {  	_ =	shalt  }
0x4f: {  	_ =	shalt  }
0x50: {  	_ =	shalt  }
0x51: {  	_ =	shalt  }
0x52: {  	_ =	shalt  }
0x53: {  	_ =	shalt  }
0x54: {  	_ =	shalt  }
0x55: {  	_ =	shalt  }
0x56: {  	_ =	shalt  }
0x57: {  	_ =	shalt  }
0x58: {  	_ =	shalt  }
0x59: {  	_ =	shalt  }
0x5a: {  	_ =	shalt  }
0x5b: {  	_ =	shalt  }
0x5c: {  	_ =	shalt  }
0x5d: {  	_ =	shalt  }
0x5e: {  	_ =	shalt  }
0x5f: {  	_ =	shalt  }
0x60: {  	_ =	shalt  }
0x61: {  	_ =	shalt  }
0x62: {  	_ =	shalt  }
0x63: {  	_ =	shalt  }
0x64: {  	_ =	shalt  }
0x65: {  	_ =	shalt  }
0x66: {  	_ =	shalt  }
0x67: {  	_ =	shalt  }
0x68: {  	_ =	shalt  }
0x69: {  	_ =	shalt  }
0x6a: {  	_ =	shalt  }
0x6b: {  	_ =	shalt  }
0x6c: {  	_ =	shalt  }
0x6d: {  	_ =	shalt  }
0x6e: {  	_ =	shalt  }
0x6f: {  	_ =	shalt  }
0x70: {  	_ =	shalt  }
0x71: {  	_ =	shalt  }
0x72: {  	_ =	shalt  }
0x73: {  	_ =	shalt  }
0x74: {  	_ =	shalt  }
0x75: {  	_ =	shalt  }
0x76: {  	_ =	shalt  }
0x77: {  	_ =	shalt  }
0x78: {  	_ =	shalt  }
0x79: {  	_ =	shalt  }
0x7a: {  	_ =	shalt  }
0x7b: {  	_ =	shalt  }
0x7c: {  	_ =	shalt  }
0x7d: {  	_ =	shalt  }
0x7e: {  	_ =	shalt  }
0x7f: {  	_ =	shalt  }
0x80: {  	_ =	shalt  }
0x81: {  	_ =	shalt  }
0x82: {  	_ =	shalt  }
0x83: {  	_ =	shalt  }
0x84: {  	_ =	shalt  }
0x85: {  	_ =	shalt  }
0x86: {  	_ =	shalt  }
0x87: {  	_ =	shalt  }
.Lfunc_end0:
.L_simem_size_0:
called_computation_lowered:
.L_overlay_start_0:
0x88: {  	s2 =	sld [smem:$0x3FD9]  }
0x89: {  	s3 =	sld [smem:$0x3FFE];
	_ =	sdelay $0x1  }
0x8a: {  	s1 =	srdreg.scid  }
0x8b: {  	s0 =	sand.u32 $0x1, s1  }
0x8c: {  	s18 =	sshll.u32 s0, $0xA;
	s2 =	sadd.s32 s3, s2  }
0x8d: {  	s2 =	sadd.s32 s2, s18  }
0x8e: {  	[smem:$0x3FC5] =	sst s2  }
0x8f: {  	_ = 	snop  }
0x90: {  	s2 =	sld [smem:$0x3FC9]  }
0x91: {  	s19 =	sld [smem:$0x3FC8]  }
0x92: {  	s4 =	sld [smem:$0x3FC7]  }
0x93: {  	s5 =	sld [smem:$0x3FD0];
	(tm) =	ssettm $0x1  }
0x94: {  	s6 =	sld [smem:$0x3FFB];
	_ =	sdelay $0x3  }
0x95: {  	_ =	strace s6  }
0x96: {  	s6 =	sld [smem:$0x3FFC];
	_ =	sdelay $0x3  }
0x97: {  	_ =	strace s6  }
0x98: {  	s6 =	sld [smem:$0x3FFD];
	_ =	sdelay $0x3  }
0x99: {  	_ =	strace s6  }
0x9a: {  	_ =	strace $0x8FFFFFFF  }
0x9b: {  	s20 =	sld [smem:$0x3FDB];
	_ =	sdelay $0x1  }
0x9c: {  	s7 =	simm.s32 $_scs_section_size  }
0x9d: {  	s8 =	simm.s32 $_size__tile_overlayer_lowered;
	s9 =	simm.s32 $_tile_overlayer_lowered  }
0x9e: {  	s23 =	simm.s32 $0x1BFF;
	s22 =	sshll.u32 s9, $0x1;
	s6 =	sadd.s32 s7, s20  }
0x9f: {  	s10 =	simm.s32 $0x0;
	s21 =	sshll.u32 s8, $0x1;
	s8 =	sadd.s32 s22, s6  }
0xa0: {  	[timem:s10], [sflag:s23] =	dma.local [hbm:s8], s21  }
0xa1: {  	_ =	swait.ge [sflag:s23], s21  }
0xa2: {  	s7 =	ssub.s32 $0x0, s21;
	[sflag:s23] =	ssyncset.done $0x0  }
0xa3: {  	[sflag:s23] =	ssyncadd.s32 s7;
	_ =	sdelay $0x1  }
0xa4: {  	s24 =	simm.s32 $0x1B8B  }
0xa5: {  	_ =	swait.ge [sflag:s24], $0x1  }
0xa6: {  	[sflag:s24] =	ssyncset.done $0x0  }
0xa7: {  	s25 =	simm.s32 $0x1B8E;
	[sflag:s24] =	ssyncadd.s32 $0xFFFFFFFF  }
0xa8: {  	s26 =	simm.s32 $execute0_lowered;
	[smem:$0x3FD2] =	sst s25  }
0xa9: {  	s7 =	sshll.u32 s26, $0x1;
	_ =	strace $0x80000046;
	[dreg:$0x1] =	wrdreg $0xFFFFFFFF  }
0xaa: {  	s28 =	simm.s32 $_size_execute0_lowered;
	s6 =	sadd.s32 s6, s7;
	[dreg:$0x0] =	wrdreg $0x0  }
0xab: {  	s7 =	sshll.u32 s28, $0x1;
	[dreg:$0x2] =	wrdreg s6  }
0xac: {  	[dreg:$0x3] =	wrdreg s7  }
0xad: {  	[dreg:$0x4] =	wrdreg $0xC0  }
0xae: {  	_ =	task [dreg:s10], $0x5FFFF  }
0xaf: {  	[dreg:$0x1] =	wrdreg $0xFFFFFFFF  }
0xb0: {  	[dreg:$0x0] =	wrdreg $0x60  }
0xb1: {  	[dreg:$0x2] =	wrdreg s2  }
0xb2: {  	[dreg:$0x3] =	wrdreg s19  }
0xb3: {  	[dreg:$0x4] =	wrdreg s4  }
0xb4: {  	[dreg:$0x5] =	wrdreg s5  }
0xb5: {  	[dreg:$0x6] =	wrdreg $0x0  }
0xb6: {  	[dreg:$0x7] =	wrdreg $0x9  }
0xb7: {  	_ =	task.clear_ibuf [dreg:s10], $0x8FFFF;
	_ =	strace $0x90000046  }
0xb8: {  	s29 =	simm.s32 $0x9;
	_ =	strace $0x80000048  }
0xb9: {  	_ =	swait.ge [sflag:s29], $0x1  }
0xba: {  	[sflag:s29] =	ssyncadd.s32 $0xFFFFFFFF  }
0xbb: {  	_ =	strace $0x90000048  }
0xbc: {  	_ =	sfence  }
0xbd: {  	s30 =	sld [smem:$0x0];
	_ =	sdelay $0x2  }
0xbe: {  	s31 =	sshll.u32 s1, $0xD;
	s1 =	sshrl.u32 s1, $0x2  }
0xbf: {  	s3 =	sand.u32 $0x4000, s31;
	s1 =	sadd.s32 s1, s30  }
0xc0: {  	s0 =	sor.u32 s3, s0;
	s1 =	sshll.u32 s1, $0x11  }
0xc1: {  	s0 =	sor.u32 s1, s0  }
0xc2: {  	s0 =	sadd.s32 $0x8F2B, s0  }
0xc3: {  	[sflag:s0] =	ssyncadd.remote.s32 $0x1  }
0xc4: {  	_ =	sfence.sel $0xFFFF  }
0xc5: {  	[dreg:$0x0] =	wrdreg $0xFFFFFFFF;
	(pc) =	sbr.abs _section_cstart, $3  }
0xc6: {  	[dreg:$0x1] =	wrdreg $0xFFFFFFFF  }
0xc7: {  	_ =	task.clear_ibuf [dreg:s10], $0x2FFFF;
	_ =	strace $0x9FFFFFFF  }
0xc8: {  	(tm) =	ssettm $0x7FFFFFFF  }
0xc9: {  	_ =	shalt  }
tec
execute0_lowered:
.L_overlay_start_1:
0x0: {  	(tag) =	ssettag $0x1  }
0x1: {  	s0 =	rddreg [dreg:$0x0]  }
0x2: {  	s3 =	rddreg [dreg:$0x1]  }
0x3: {  	s4 =	rddreg [dreg:$0x2]  }
0x4: {  	s5 =	rddreg [dreg:$0x3]  }
0x5: {  	s1 =	rddreg [dreg:$0x4];
	s6 =	srdreg.scid;
	s2 =	simm.s32 $0x0  }
0x6: {  	s11 =	stileid.u32;
	s28 =	simm.s32 $0x4548;
	s30 =	simm.s32 $0x6548  }
0x7: {  	s29 =	simm.s32 $0xE548;
	s31 =	simm.s32 $0x4;
	s6 =	sand.u32 $0x1, s6  }
0x8: {  	[smem:$0x7FF] =	sst s2;
	s9 =	sshll.u32 s11, $0xA;
	s10 =	sshll.u32 s11, $0xD  }
0x9: {  	p0 =	seq.s32 s11, $0xF;
	s7 =	ssub.s32 $0x2, s6;
	s6 =	sshll.u32 s6, $0x9  }
0xa: {  	_ =	strace $0x80000047;
	s8 =	sshrl.u32 s7, $0x1;
	s6 =	sor.u32 s6, s9  }
0xb: {  	s9 =	sadd.s32 s4, s9;
	s4 =	sadd.s32 $0x3C00, s4;
	s7 =	ssub.s32 s7, s8  }
0xc: {  	s8 =	sadd.s32 s10, s1;
	[dreg:$0x6] =	wrdreg s9;
	s9 =	sadd.s32 $0x1E000, s1  }
0xd: {  	s18 =	sshll.u32 s6, $0x4;
	[dreg:$0x7] =	wrdreg s4;
	s19 =	sshrl.u32 s6, $0x3  }
0xe: {  	s4 =	simm.s32 $0x5;
	s10 =	simm.s32 $0xA;
	s6 =	sadd.s32 s5, s18  }
0xf: {  	s0 =	sadd.s32 s0, s19;
	s20 =	sadd.s32 s3, s19;
	s16 =	smax.u32 s7, $0x1  }
0x10: {  	s17 =	sshrl.u32 @p0 s9, $0x3;
	s19 =	sshrl.u32 @!p0 s8, $0x3;
	s3 =	simm.s32 $0x10548  }
0x11: {  	s5 =	simm.s32 $0x6;
	s7 =	simm.s32 $0x7;
	[dreg:$0x8] =	wrdreg s0  }
0x12: {  	s8 =	simm.s32 $0x8;
	[dreg:$0x9] =	wrdreg s20;
	s21 =	sadd.s32 $0x400, s6  }
0x13: {  	s9 =	simm.s32 $0x9;
	s22 =	sadd.s32 $0x800, s6;
	[dreg:$0xa] =	wrdreg s21  }
0x14: {  	s23 =	sadd.s32 $0xC00, s6;
	s24 =	sadd.s32 $0x1000, s6;
	[dreg:$0xb] =	wrdreg s22  }
0x15: {  	s25 =	sadd.s32 $0x1400, s6;
	s26 =	sadd.s32 $0x1800, s6;
	[dreg:$0xc] =	wrdreg s23  }
0x16: {  	s15 =	sadd.s32 $0x1C00, s6;
	s0 =	sshll.u32 @!p0 s11, $0x6;
	[dreg:$0xd] =	wrdreg s24  }
0x17: {  	s20 =	simm.s32 $0xA548;
	s11 =	simm.s32 $0x0;
	[dreg:$0xe] =	wrdreg s25  }
0x18: {  	[dreg:$0xf] =	wrdreg s26;
	s18 =	sor.u32 @!p0 $0x1C01, s0;
	s21 =	simm.s32 $0xB  }
0x19: {  	s23 =	simm.s32 $0x40;
	s25 =	simm.s32 $0x2548;
	s0 =	simm.s32 $0x8548  }
0x1a: {  	s24 =	simm.s32 $0xC548;
	s22 =	simm.s32 $0x2;
	s26 =	simm.s32 $0x3  }
.LBB2_1:
0x1b: {  	s12 =	simm.s32 @p0 $0x1FC1;
	s13 =	rddreg [dreg:$0x7]  }
0x1c: {  	[spmem:s17], [sflag:s12] =	dma.local @p0 [hbm:s13], $0x290  }
0x1d: {  	s12 =	rddreg [dreg:$0x6]  }
0x1e: {  	[spmem:s19], [sflag:s18] =	dma.local @!p0 [hbm:s12], $0x400  }
0x1f: {  	s14 =	simm.s32 $0x1F48;
	s12 =	rddreg [dreg:$0x8]  }
0x20: {  	[tilespmem:s14], [sflag:$0xB] =	stream.linear.gather [hbm4b:s12+s2], $0x200, $0x38;
	[tilespmem:$0x12548] =	vst v63  }
0x21: {  	_ =	swait.ge [sflag:s21], $0x200  }
0x22: {  	[sflag:s21] =	ssyncset.done $0x0  }
0x23: {  	s14 =	simm.s32 $0x2148;
	s13 =	rddreg [dreg:$0x9];
	[sflag:s21] =	ssyncadd.s32 $0xFFFFFE00  }
0x24: {  	[tilespmem:s14], [sflag:$0xB] =	stream.linear.gather [hbm4b:s13+s2], $0x200, $0x38;
	[tilespmem:$0x12548] =	vst v63  }
0x25: {  	_ =	swait.ge [sflag:s21], $0x200  }
0x26: {  	[sflag:s21] =	ssyncset.done $0x0  }
0x27: {  	s12 =	simm.s32 $0x0;
	[sflag:s21] =	ssyncadd.s32 $0xFFFFFE00  }
0x28: {  	v0 =	vld [tilespmem:s12+$0x2148]  }
0x29: {  	s13 =	simm.s32 $0x40;
	v1 =	vld [tilespmem:s12+$0x1F48]  }
.LBB2_2:
0x2a: {  	p1 =	sne.s32 s13, $0x7C0  }
.Ltmp0:
0x2b: {  	_ = 	snop;
	(pc) =	sbr.rel @p1 .LBB2_2-.Ltmp0, $4  }
0x2c: {  	_ = 	snop  }
0x2d: {  	s14 =	sshra.s32 s13, $0x2;
	s13 =	sadd.s32 $0x40, s13;
	vm0 =	veq.s32 v0, $0x1  }
0x2e: {  	v0 =	vld [tilespmem:s14+$0x2148];
	v2 =	vsel vm0, $0x3E8, v1  }
0x2f: {  	v1 =	vld [tilespmem:s14+$0x1F48];
	[tilespmem:s12+$0x2348] =	vst v2;
	s12 =	smov.u32 s14  }
0x30: {  	_ =	sdelay $0x2  }
0x31: {  	vm0 =	veq.s32 v0, $0x1  }
0x32: {  	v0 =	vsel vm0, $0x3E8, v1  }
0x33: {  	[tilespmem:s12+$0x2348] =	vst v0;
	s12 =	simm.s32 @p0 $0x1  }
0x34: {  	_ =	swait.ge @p0 [sflag:s12], $0x290  }
0x35: {  	[sflag:s12] =	ssyncset.done @p0 $0x0  }
0x36: {  	[sflag:s12] =	ssyncadd.s32 @p0 $0xFFFFFD70;
	s12 =	simm.s32 @!p0 $0x1  }
0x37: {  	_ =	swait.ge @!p0 [sflag:s12], $0x400  }
0x38: {  	[sflag:s12] =	ssyncset.done @!p0 $0x0  }
0x39: {  	[sflag:s12] =	ssyncadd.s32 @!p0 $0xFFFFFC00  }
0x3a: {  	s13 =	simm.s32 $0x2348;
	[bflag:$0x0] =	sbarrier.arrive $0xFFFF  }
0x3b: {  	[tilespmem:s25], [sflag:$0x2] =	stream.indirect.gather [spmem:s1], $0x80, s13, s23, $0xb8;
	[tilespmem:$0x12548] =	vst v63  }
0x3c: {  	s14 =	simm.s32 $0x2388  }
0x3d: {  	[tilespmem:s28], [sflag:$0x3] =	stream.indirect.gather [spmem:s1], $0x80, s14, s23, $0xb8;
	[tilespmem:$0x12548] =	vst v63  }
0x3e: {  	s13 =	simm.s32 $0x23C8  }
0x3f: {  	[tilespmem:s30], [sflag:$0x4] =	stream.indirect.gather [spmem:s1], $0x80, s13, s23, $0xb8;
	[tilespmem:$0x12548] =	vst v63  }
0x40: {  	s14 =	simm.s32 $0x2408  }
0x41: {  	[tilespmem:s0], [sflag:$0x5] =	stream.indirect.gather [spmem:s1], $0x80, s14, s23, $0xb8;
	[tilespmem:$0x12548] =	vst v63  }
0x42: {  	s13 =	simm.s32 $0x2448  }
0x43: {  	[tilespmem:s20], [sflag:$0x6] =	stream.indirect.gather [spmem:s1], $0x80, s13, s23, $0xb8;
	[tilespmem:$0x12548] =	vst v63  }
0x44: {  	s14 =	simm.s32 $0x2488  }
0x45: {  	[tilespmem:s24], [sflag:$0x7] =	stream.indirect.gather [spmem:s1], $0x80, s14, s23, $0xb8;
	[tilespmem:$0x12548] =	vst v63  }
0x46: {  	s13 =	simm.s32 $0x24C8  }
0x47: {  	[tilespmem:s29], [sflag:$0x8] =	stream.indirect.gather [spmem:s1], $0x80, s13, s23, $0xb8;
	[tilespmem:$0x12548] =	vst v63  }
0x48: {  	s14 =	simm.s32 $0x2508  }
0x49: {  	[tilespmem:s3], [sflag:$0x9] =	stream.indirect.gather [spmem:s1], $0x80, s14, s23, $0xb8;
	[tilespmem:$0x12548] =	vst v63  }
0x4a: {  	_ =	swait.ge [sflag:s22], $0x2000  }
0x4b: {  	[sflag:s22] =	ssyncset.done $0x0  }
0x4c: {  	[sflag:s22] =	ssyncadd.s32 $0xFFFFE000  }
0x4d: {  	[hbm4b:s6+s2] =	stream.linear.scatter [tilespmem:s25], [sflag:$0xA], $0x2000, $0x38;
	[tilespmem:$0x12548] =	vst v63  }
0x4e: {  	_ =	swait.ge [sflag:s26], $0x2000  }
0x4f: {  	[sflag:s26] =	ssyncset.done $0x0  }
0x50: {  	s13 =	rddreg [dreg:$0xa];
	[sflag:s26] =	ssyncadd.s32 $0xFFFFE000  }
0x51: {  	[hbm4b:s13+s2] =	stream.linear.scatter [tilespmem:s28], [sflag:$0xA], $0x2000, $0x38;
	[tilespmem:$0x12548] =	vst v63  }
0x52: {  	_ =	swait.ge [sflag:s31], $0x2000  }
0x53: {  	[sflag:s31] =	ssyncset.done $0x0  }
0x54: {  	s14 =	rddreg [dreg:$0xb];
	[sflag:s31] =	ssyncadd.s32 $0xFFFFE000  }
0x55: {  	[hbm4b:s14+s2] =	stream.linear.scatter [tilespmem:s30], [sflag:$0xA], $0x2000, $0x38;
	[tilespmem:$0x12548] =	vst v63  }
0x56: {  	_ =	swait.ge [sflag:s4], $0x2000  }
0x57: {  	[sflag:s4] =	ssyncset.done $0x0  }
0x58: {  	s13 =	rddreg [dreg:$0xc];
	[sflag:s4] =	ssyncadd.s32 $0xFFFFE000  }
0x59: {  	[hbm4b:s13+s2] =	stream.linear.scatter [tilespmem:s0], [sflag:$0xA], $0x2000, $0x38;
	[tilespmem:$0x12548] =	vst v63  }
0x5a: {  	_ =	swait.ge [sflag:s5], $0x2000  }
0x5b: {  	[sflag:s5] =	ssyncset.done $0x0  }
0x5c: {  	s14 =	rddreg [dreg:$0xd];
	[sflag:s5] =	ssyncadd.s32 $0xFFFFE000  }
0x5d: {  	[hbm4b:s14+s2] =	stream.linear.scatter [tilespmem:s20], [sflag:$0xA], $0x2000, $0x38;
	[tilespmem:$0x12548] =	vst v63  }
0x5e: {  	_ =	swait.ge [sflag:s7], $0x2000  }
0x5f: {  	[sflag:s7] =	ssyncset.done $0x0  }
0x60: {  	s13 =	rddreg [dreg:$0xe];
	[sflag:s7] =	ssyncadd.s32 $0xFFFFE000  }
0x61: {  	[hbm4b:s13+s2] =	stream.linear.scatter [tilespmem:s24], [sflag:$0xA], $0x2000, $0x38;
	[tilespmem:$0x12548] =	vst v63  }
0x62: {  	_ =	swait.ge [sflag:s8], $0x2000  }
0x63: {  	[sflag:s8] =	ssyncset.done $0x0  }
0x64: {  	s14 =	rddreg [dreg:$0xf];
	[sflag:s8] =	ssyncadd.s32 $0xFFFFE000  }
0x65: {  	[hbm4b:s14+s2] =	stream.linear.scatter [tilespmem:s29], [sflag:$0xA], $0x2000, $0x38;
	[tilespmem:$0x12548] =	vst v63  }
0x66: {  	_ =	swait.ge [sflag:s9], $0x2000  }
0x67: {  	[sflag:s9] =	ssyncset.done $0x0  }
0x68: {  	[sflag:s9] =	ssyncadd.s32 $0xFFFFE000  }
0x69: {  	[hbm4b:s15+s2] =	stream.linear.scatter [tilespmem:s3], [sflag:$0xA], $0x2000, $0x38;
	[tilespmem:$0x12548] =	vst v63  }
0x6a: {  	_ =	swait.ge [sflag:s10], $0x2000  }
0x6b: {  	[sflag:s10] =	ssyncset.done $0x0  }
0x6c: {  	[sflag:s10] =	ssyncadd.s32 $0xFFFFE000  }
0x6d: {  	_ =	swait.ge [sflag:s10], $0x2000  }
0x6e: {  	[sflag:s10] =	ssyncset.done $0x0  }
0x6f: {  	[sflag:s10] =	ssyncadd.s32 $0xFFFFE000  }
0x70: {  	_ =	swait.ge [sflag:s10], $0x2000  }
0x71: {  	[sflag:s10] =	ssyncset.done $0x0  }
0x72: {  	[sflag:s10] =	ssyncadd.s32 $0xFFFFE000  }
0x73: {  	_ =	swait.ge [sflag:s10], $0x2000  }
0x74: {  	[sflag:s10] =	ssyncset.done $0x0  }
0x75: {  	[sflag:s10] =	ssyncadd.s32 $0xFFFFE000  }
0x76: {  	_ =	swait.ge [sflag:s10], $0x2000  }
0x77: {  	[sflag:s10] =	ssyncset.done $0x0  }
0x78: {  	[sflag:s10] =	ssyncadd.s32 $0xFFFFE000  }
0x79: {  	_ =	swait.ge [sflag:s10], $0x2000  }
0x7a: {  	[sflag:s10] =	ssyncset.done $0x0  }
0x7b: {  	s11 =	sadd.s32 $0x1, s11;
	[sflag:s10] =	ssyncadd.s32 $0xFFFFE000  }
0x7c: {  	p1 =	sne.s32 s11, s16;
	_ =	swait.ge [sflag:s10], $0x2000  }
.Ltmp1:
0x7d: {  	[sflag:s10] =	ssyncset.done $0x0;
	(pc) =	sbr.rel @p1 .LBB2_1-.Ltmp1, $4  }
0x7e: {  	[sflag:s10] =	ssyncadd.s32 $0xFFFFE000  }
0x7f: {  	_ =	swait.ge [sflag:s10], $0x2000  }
0x80: {  	[sflag:s10] =	ssyncset.done $0x0  }
0x81: {  	[sflag:s10] =	ssyncadd.s32 $0xFFFFE000  }
0x82: {  	_ =	sfence.sel $0x180000  }
0x83: {  	[bflag:$0x0] =	sbarrier.arrive $0xFFFF  }
0x84: {  	_ =	strace $0x90000047  }
0x85: {  	s0 =	stileid.u32;
	[bflag:$0x2] =	sbarrier.arrive $0xFFFF  }
0x86: {  	p0 =	sne.s32 s0, $0x0;
	s0 =	rddreg [dreg:$0x5]  }
0x87: {  	s0 =	sadd.s32 @!p0 $0x100000, s0  }
0x88: {  	[sflag:s0] =	ssyncadd.tile.s32 @!p0 $0x1;
	_ =	shalt  }
.Lfunc_end2:
_tile_overlayer_lowered:
.L_overlay_start_2:
0x89: {  	(tag) =	ssettag $0x2  }
0x8a: {  	s0 =	rddreg [dreg:$0x0];
	s2 =	stileid.u32  }
0x8b: {  	s1 =	rddreg [dreg:$0x1];
	p0 =	sne.s32 s2, $0x0  }
0x8c: {  	s3 =	rddreg [dreg:$0x2];
	[bflag:$0x3] =	sbarrier.arrive $0xFFFF;
	s2 =	simm.s32 @!p0 $0x1C0B  }
0x8d: {  	[timem:s3], [sflag:s2] =	dma.local @!p0 [hbm:s0], s1  }
0x8e: {  	s0 =	simm.s32 @!p0 $0xB  }
0x8f: {  	_ =	swait.ge @!p0 [sflag:s0], s1  }
0x90: {  	s1 =	ssub.s32 @!p0 $0x0, s1;
	[sflag:s0] =	ssyncset.done @!p0 $0x0  }
0x91: {  	[sflag:s0] =	ssyncadd.s32 @!p0 s1  }
0x92: {  	[bflag:$0x3] =	sbarrier.arrive $0xFFFF  }
0x93: {  	_ =	shalt  }

</sc_bundles>
